<compile_context>
chip_gen: v7x
topology: tpu7x:2x2x1
jax: 0.10.2.dev20260603
libtpu: 0.0.44.dev20260713+nightly
codegen_flags: <defaults>
</compile_context>

<pallas_src>
import functools

import jax
import jax.numpy as jnp
from jax import lax
from jax.experimental import pallas as pl
from jax.experimental.pallas import tpu as pltpu
from jax.experimental.pallas import tpu_sc as plsc

_N = 50000
_NP = 50048
_NPP = _NP // 4
_P = 32
_D = 96

_NT = 16
_CH = 128
_IB = 4
_NIS = 4
_K = 6
_G = 4
_E_ALIGN = _NT * _IB * _CH
_ACC_ROWS = 50176
_ZB = 32
_ZPT = _ACC_ROWS // _NT // _ZB
_WPT = _NP // _NT


def _mm_body(x1, x2, x3, w, o1, o2, o3):
    x = jnp.concatenate([x1[...], x2[...], x3[...]], axis=1)
    y = jnp.dot(x, w[...], preferred_element_type=jnp.float32)
    o1[...] = y[:, 0:128]
    o2[...] = y[:, 128:256]
    o3[...] = y[:, 256:384]


_MM_BLK = 3128

_mm = pl.pallas_call(
    _mm_body,
    grid=(_NPP // _MM_BLK,),
    in_specs=[pl.BlockSpec((_MM_BLK, 128), lambda i: (i, 0))] * 3
    + [pl.BlockSpec((3 * 128, 3 * 128), lambda i: (0, 0))],
    out_specs=[pl.BlockSpec((_MM_BLK, 128), lambda i: (i, 0))] * 3,
    out_shape=[jax.ShapeDtypeStruct((_NPP, 128), jnp.float32)] * 3,
)


def _pack_theta(theta):
    return jnp.concatenate(
        [jnp.kron(jnp.eye(4, dtype=theta.dtype), theta[32 * m:32 * m + 32])
         for m in range(3)], axis=0)

_sc_mesh = plsc.VectorSubcoreMesh(core_axis_name="c", subcore_axis_name="s")


@functools.partial(
    pl.kernel,
    out_type=[jax.ShapeDtypeStruct((_NP, _P), jnp.float32)] * 2,
    mesh=_sc_mesh,
    scratch_types=[
        pltpu.VMEM_SHARED((_ACC_ROWS, _P), jnp.float32),
        pltpu.VMEM((_NIS, _IB * _CH), jnp.int32),
        pltpu.VMEM((_NIS, _IB, _CH), jnp.int32),
        pltpu.VMEM((_K, _CH, _P), jnp.float32),
        pltpu.VMEM((_ZB, _P), jnp.float32),
        pltpu.SemaphoreType.DMA,
        pltpu.SemaphoreType.DMA,
        pltpu.SemaphoreType.DMA,
    ],
    compiler_params=pltpu.CompilerParams(use_tc_tiling_on_sc=False),
)
def _sc_agg(y2, y3, cols_e, rows_e, cols_a, rows_a, agg2, agg3,
            acc, colbuf, rowbuf, gbuf, zbuf, gsem, ssem, isem):
    c = lax.axis_index("c")
    s = lax.axis_index("s")
    n_blocks = cols_e.shape[0] // (_NT * _IB * _CH)
    n_chunks = n_blocks * _IB

    zero16 = jnp.zeros((16,), jnp.float32)

    def _zrow(i, carry):
        zbuf[i, pl.ds(0, 16)] = zero16
        zbuf[i, pl.ds(16, 16)] = zero16
        return carry

    lax.fori_loop(0, _ZB, _zrow, 0)

    def _zacc(k, carry):
        pltpu.sync_copy(zbuf, acc.at[pl.ds(s * (_ZPT * _ZB) + k * _ZB, _ZB)])
        return carry

    lax.fori_loop(0, _ZPT, _zacc, 0)
    plsc.subcore_barrier()

    def _run(cols, rows, ytab):
        tile_base = s * n_blocks
        blk_elems = _IB * _CH

        def _stage(b, islot):
            e0 = (tile_base + b) * blk_elems
            pltpu.async_copy(cols.at[pl.ds(e0, blk_elems)], colbuf.at[islot],
                             isem)
            for i in range(_IB):
                pltpu.async_copy(rows.at[pl.ds(e0 + i * _CH, _CH)],
                                 rowbuf.at[islot, i], isem)

        def _drain(sem, nbytes_ref_pair):
            pltpu.make_async_copy(*nbytes_ref_pair, sem).wait()

        def _drain_stage(sem):
            pltpu.make_async_copy(cols.at[pl.ds(0, blk_elems)], colbuf.at[0],
                                  sem).wait()
            for i in range(_IB):
                pltpu.make_async_copy(rows.at[pl.ds(0, _CH)],
                                      rowbuf.at[0, i], sem).wait()

        def _gather(chunk, j):
            islot = (chunk // _IB) % _NIS
            pltpu.async_copy(
                ytab.at[colbuf.at[islot, pl.ds(j * _CH, _CH)]],
                gbuf.at[chunk % _K], gsem)

        e0 = tile_base * blk_elems
        pltpu.sync_copy(cols.at[pl.ds(e0, blk_elems)], colbuf.at[0])
        for i in range(_IB):
            pltpu.sync_copy(rows.at[pl.ds(e0 + i * _CH, _CH)],
                            rowbuf.at[0, i])
        _stage(1, 1 % _NIS)
        for j in range(_G):
            _gather(j, j % _IB)

        def _step(k, carry):
            b = k // _IB
            j = k % _IB

            @pl.when(jnp.logical_and(j == 0, b + 1 < n_blocks))
            def _():
                _drain_stage(isem)

            @pl.when(jnp.logical_and(j == 2, b + 2 < n_blocks))
            def _():
                _stage(b + 2, (b + 2) % _NIS)

            _drain(gsem, (ytab.at[pl.ds(0, _CH)], gbuf.at[0]))

            nk = k + _G

            @pl.when(jnp.logical_and(nk < n_chunks, k >= _K - _G))
            def _():
                _drain(ssem, (ytab.at[pl.ds(0, _CH)], gbuf.at[0]))

            @pl.when(nk < n_chunks)
            def _():
                _gather(nk, nk % _IB)

            pltpu.async_copy(
                gbuf.at[k % _K], acc.at[rowbuf.at[b % _NIS, j]], ssem,
                add=True)
            return carry

        lax.fori_loop(0, n_chunks, _step, 0)
        for _ in range(_K):
            _drain(ssem, (ytab.at[pl.ds(0, _CH)], gbuf.at[0]))

    @pl.when(c == 0)
    def _():
        _run(cols_e, rows_e, y2)

    @pl.when(c == 1)
    def _():
        _run(cols_a, rows_a, y3)

    plsc.subcore_barrier()

    @pl.when(c == 0)
    def _():
        pltpu.sync_copy(acc.at[pl.ds(s * _WPT, _WPT)], agg2.at[pl.ds(s * _WPT, _WPT)])

    @pl.when(c == 1)
    def _():
        pltpu.sync_copy(acc.at[pl.ds(s * _WPT, _WPT)], agg3.at[pl.ds(s * _WPT, _WPT)])


def _prep_edges(edge_index):
    e = edge_index.shape[1]
    e_pad = -(-e // _E_ALIGN) * _E_ALIGN
    pad = e_pad - e
    rows = jnp.concatenate([edge_index[0], jnp.full((pad,), _N, jnp.int32)])
    cols = jnp.concatenate([edge_index[1], jnp.zeros((pad,), jnp.int32)])
    return cols, rows


def kernel(node_embeddings, edge_index, anti_edge_index, theta1, theta2, theta3,
           num_iterations=2):
    w = jnp.concatenate(
        [_pack_theta(theta1), _pack_theta(theta2), _pack_theta(theta3)],
        axis=1)
    cols_e, rows_e = _prep_edges(edge_index)
    cols_a, rows_a = _prep_edges(anti_edge_index)

    padded = jnp.pad(node_embeddings, ((0, _NP - _N), (0, 0)))
    x0 = tuple(
        padded[:, 32 * m:32 * m + 32].reshape(_NPP, 128) for m in range(3))

    def body(_, xs):
        y1p, y2p, y3p = _mm(xs[0], xs[1], xs[2], w)
        agg2, agg3 = _sc_agg(y2p.reshape(_NP, _P), y3p.reshape(_NP, _P),
                             cols_e, rows_e, cols_a, rows_a)
        return (y1p, agg2.reshape(_NPP, 128), agg3.reshape(_NPP, 128))

    x1p, x2p, x3p = lax.fori_loop(0, num_iterations, body, x0)
    return x1p + x2p + x3p

# --- scband reference (transcript-rebuilt; emitter-appended) ---
"""Pipeline reference for scband-iterative-embedding-model-89172110999958 (READ-ONLY COPY).

The authoritative reference and input builder live on the scoring server;
editing this copy changes nothing except your own understanding.
"""

import jax, jax.numpy as jnp
import numpy as np

N = 50000
E = 800000
P = 32
D = 3 * P


def setup_inputs(seed: int = 0) -> dict:
    key = jax.random.key(seed)
    k1, k2, k3, k4, k5, k6 = jax.random.split(key, 6)
    node_embeddings = jax.random.normal(k1, (N, D), dtype=jnp.float32)
    edge_index = jax.random.randint(k2, (2, E), 0, N, dtype=jnp.int32)
    anti_edge_index = jax.random.randint(k3, (2, E), 0, N, dtype=jnp.int32)
    theta1 = jax.random.normal(k4, (D, P), dtype=jnp.float32)
    theta2 = jax.random.normal(k5, (D, P), dtype=jnp.float32)
    theta3 = jax.random.normal(k6, (D, P), dtype=jnp.float32)
    return {
        "node_embeddings": node_embeddings,
        "edge_index": edge_index,
        "anti_edge_index": anti_edge_index,
        "theta1": theta1,
        "theta2": theta2,
        "theta3": theta3,
        "num_iterations": 2,
    }


def _aggregate(embeddings, edge_index):
    row = edge_index[0]
    col = edge_index[1]
    gathered = jnp.take(embeddings, col, axis=0)
    return jnp.zeros_like(embeddings).at[row].add(gathered)


def reference(node_embeddings, edge_index, anti_edge_index, theta1, theta2, theta3, num_iterations=2):
    def body(_, embeddings):
        cur = embeddings
        neighbors_sum = _aggregate(cur, edge_index)
        anti_neighbors_sum = _aggregate(cur, anti_edge_index)
        return jnp.concatenate(
            [
                jnp.matmul(cur, theta1),
                jnp.matmul(neighbors_sum, theta2),
                jnp.matmul(anti_neighbors_sum, theta3),
            ],
            axis=1,
        )

    return jax.lax.fori_loop(0, num_iterations, body, node_embeddings)

if __name__ == "__main__":
    import jax
    _d = setup_inputs()
    print(jax.jit(kernel)(*tuple(_d.values())))

</pallas_src>

<mosaic_0001>
#map = affine_map<(d0, d1) -> (0, 0)>
#map1 = affine_map<(d0, d1) -> (0)>
module attributes {stable_mosaic.version = 14 : i64} {
  func.func @_sc_agg(%arg0: i32, %arg1: i32, %arg2: memref<50048x32xf32, #tpu.memory_space<hbm>>, %arg3: memref<50048x32xf32, #tpu.memory_space<hbm>>, %arg4: memref<802816xi32, #tpu.memory_space<hbm>>, %arg5: memref<802816xi32, #tpu.memory_space<hbm>>, %arg6: memref<802816xi32, #tpu.memory_space<hbm>>, %arg7: memref<802816xi32, #tpu.memory_space<hbm>>, %arg8: memref<50048x32xf32, #tpu.memory_space<hbm>>, %arg9: memref<50048x32xf32, #tpu.memory_space<hbm>>, %arg10: memref<50176x32xf32, #tpu.memory_space<vmem_shared>>, %arg11: memref<4x512xi32, #tpu.memory_space<vmem>>, %arg12: memref<4x4x128xi32, #tpu.memory_space<vmem>>, %arg13: memref<6x128x32xf32, #tpu.memory_space<vmem>>, %arg14: memref<32x32xf32, #tpu.memory_space<vmem>>, %arg15: memref<!tpu.dma_semaphore, #tpu.memory_space<semaphore_mem>>, %arg16: memref<!tpu.dma_semaphore, #tpu.memory_space<semaphore_mem>>, %arg17: memref<!tpu.dma_semaphore, #tpu.memory_space<semaphore_mem>>) attributes {dimension_semantics = [#tpu.dimension_semantics<core_parallel>, #tpu.dimension_semantics<subcore_parallel>], iteration_bounds = array<i64: 2, 16>, scalar_prefetch = 0 : i64, scratch_operands = 8 : i64, tpu.core_type = #tpu.core_type<sc_vector_subcore>, window_params = [{transform_indices = #map}, {transform_indices = #map}, {transform_indices = #map1}, {transform_indices = #map1}, {transform_indices = #map1}, {transform_indices = #map1}, {transform_indices = #map}, {transform_indices = #map}]} {
    %broadcast_in_dim3A = arith.constant 0.000000e+00 : f32
    %broadcast_in_dim3A_0 = vector.broadcast %broadcast_in_dim3A : f32 to vector<16xf32>
    %scan3A = arith.constant 0 : i32
    %scan3A_1 = arith.constant 0 : i32
    %scan3A_2 = arith.constant 32 : i32
    %scan3A_3 = arith.addi %scan3A_1, %scan3A_2 : i32
    %scan3A_4 = arith.constant 1 : i32
    scf.for %scan3A_30 = %scan3A_1 to %scan3A_3 step %scan3A_4  : i32 {
      %swap3A = arith.index_cast %scan3A_30 : i32 to index
      %swap3A_31 = arith.constant 0 : index
      %swap3A_32 = tpu.vector_load %arg14[%swap3A, %swap3A_31] {strides = array<i32>} : memref<32x32xf32, #tpu.memory_space<vmem>>, vector<1x16xf32>,
      %swap3A_33 = vector.shape_cast %swap3A_32 : vector<1x16xf32> to vector<16xf32>
      %swap3A_34 = vector.shape_cast %broadcast_in_dim3A_0 : vector<16xf32> to vector<1x16xf32>
      tpu.vector_store %arg14[%swap3A, %swap3A_31], %swap3A_34 {strides = array<i32>} : memref<32x32xf32, #tpu.memory_space<vmem>>, vector<1x16xf32>,
      %swap3A_35 = arith.index_cast %scan3A_30 : i32 to index
      %swap3A_36 = arith.constant 16 : index
      %swap3A_37 = tpu.vector_load %arg14[%swap3A_35, %swap3A_36] {strides = array<i32>} : memref<32x32xf32, #tpu.memory_space<vmem>>, vector<1x16xf32>,
      %swap3A_38 = vector.shape_cast %swap3A_37 : vector<1x16xf32> to vector<16xf32>
      %swap3A_39 = vector.shape_cast %broadcast_in_dim3A_0 : vector<16xf32> to vector<1x16xf32>
      tpu.vector_store %arg14[%swap3A_35, %swap3A_36], %swap3A_39 {strides = array<i32>} : memref<32x32xf32, #tpu.memory_space<vmem>>, vector<1x16xf32>,
    }
    %scan3A_5 = arith.constant 32 : i32
    %scan3A_6 = arith.constant 0 : i32
    %scan3A_7 = arith.constant 0 : i32
    %scan3A_8 = arith.constant 98 : i32
    %scan3A_9 = arith.addi %scan3A_7, %scan3A_8 : i32
    %scan3A_10 = arith.constant 1 : i32
    scf.for %scan3A_30 = %scan3A_7 to %scan3A_9 step %scan3A_10  : i32 {
      %mul3A = arith.constant 3136 : i32
      %mul3A_31 = arith.muli %arg1, %mul3A : i32
      %mul3A_32 = arith.constant 32 : i32
      %mul3A_33 = arith.muli %scan3A_30, %mul3A_32 : i32
      %add3A = arith.addi %mul3A_31, %mul3A_33 : i32
      "tpu.region"() ({
        %run_scoped3A = tpu.sem_alloc : memref<!tpu.dma_semaphore, #tpu.memory_space<semaphore_mem>>
        %dma_start3A = arith.constant 0 : i32
        %dma_start3A_34 = tpu.memref_slice %arg10[%add3A, %dma_start3A] : memref<50176x32xf32, #tpu.memory_space<vmem_shared>> -> memref<32x32xf32, #tpu.memory_space<vmem_shared>>
        %dma_start3A_35 = arith.constant 0 : i32
        %dma_start3A_36 = tpu.memref_slice %arg10[%add3A, %dma_start3A_35] : memref<50176x32xf32, #tpu.memory_space<vmem_shared>> -> memref<32x32xf32, #tpu.memory_space<vmem_shared>>
        tpu.enqueue_dma source(%arg14 : memref<32x32xf32, #tpu.memory_space<vmem>>) target(%dma_start3A_36 : memref<32x32xf32, #tpu.memory_space<vmem_shared>>) target_semaphore(%run_scoped3A : memref<!tpu.dma_semaphore, #tpu.memory_space<semaphore_mem>>)
        %dma_wait3A = arith.constant 0 : i32
        %dma_wait3A_37 = tpu.memref_slice %arg10[%add3A, %dma_wait3A] : memref<50176x32xf32, #tpu.memory_space<vmem_shared>> -> memref<32x32xf32, #tpu.memory_space<vmem_shared>>
        %dma_wait3A_38 = arith.constant 0 : i32
        %dma_wait3A_39 = tpu.memref_slice %arg10[%add3A, %dma_wait3A_38] : memref<50176x32xf32, #tpu.memory_space<vmem_shared>> -> memref<32x32xf32, #tpu.memory_space<vmem_shared>>
        tpu.wait_dma2 semaphore(%run_scoped3A : memref<!tpu.dma_semaphore, #tpu.memory_space<semaphore_mem>>) src(%arg14 : memref<32x32xf32, #tpu.memory_space<vmem>>) dst(%dma_wait3A_39 : memref<32x32xf32, #tpu.memory_space<vmem_shared>>)
        tpu.yield
      }) : () -> ()
    }
    %scan3A_11 = arith.constant 98 : i32
    %barrier3A = arith.constant 0 : index
    tpu.barrier barrier_id(%barrier3A)
    %eq3A = arith.constant 0 : i32
    %eq3A_12 = arith.cmpi eq, %arg0, %eq3A : i32
    %convert_element_type3A = arith.extui %eq3A_12 : i1 to i32
    %cond3A = arith.constant 0 : i32
    %cond3A_13 = arith.cmpi ne, %convert_element_type3A, %cond3A : i32
    scf.if %cond3A_13 {
      %mul3A = arith.constant 98 : i32
      %mul3A_30 = arith.muli %arg1, %mul3A : i32
      %mul3A_31 = arith.constant 512 : i32
      %mul3A_32 = arith.muli %mul3A_30, %mul3A_31 : i32
      %run_scoped3A = arith.constant 0 : i32
      "tpu.region"() ({
        %run_scoped3A_251 = tpu.sem_alloc : memref<!tpu.dma_semaphore, #tpu.memory_space<semaphore_mem>>
        %dma_start3A_252 = arith.constant 0 : i32
        %dma_start3A_253 = tpu.memref_slice %arg11[%run_scoped3A, %dma_start3A_252] : memref<4x512xi32, #tpu.memory_space<vmem>> -> memref<1x512xi32, #tpu.memory_space<vmem>>
        %dma_start3A_254 = tpu.memref_squeeze %dma_start3A_253 : memref<1x512xi32, #tpu.memory_space<vmem>> -> memref<512xi32, #tpu.memory_space<vmem>>
        %dma_start3A_255 = tpu.memref_slice %arg4[%mul3A_32] : memref<802816xi32, #tpu.memory_space<hbm>> -> memref<512xi32, #tpu.memory_space<hbm>>
        %dma_start3A_256 = arith.constant 0 : i32
        %dma_start3A_257 = tpu.memref_slice %arg11[%run_scoped3A, %dma_start3A_256] : memref<4x512xi32, #tpu.memory_space<vmem>> -> memref<1x512xi32, #tpu.memory_space<vmem>>
        %dma_start3A_258 = tpu.memref_squeeze %dma_start3A_257 : memref<1x512xi32, #tpu.memory_space<vmem>> -> memref<512xi32, #tpu.memory_space<vmem>>
        %dma_start3A_259 = tpu.memref_slice %arg4[%mul3A_32] : memref<802816xi32, #tpu.memory_space<hbm>> -> memref<512xi32, #tpu.memory_space<hbm>>
        tpu.enqueue_dma source(%dma_start3A_259 : memref<512xi32, #tpu.memory_space<hbm>>) target(%dma_start3A_258 : memref<512xi32, #tpu.memory_space<vmem>>) target_semaphore(%run_scoped3A_251 : memref<!tpu.dma_semaphore, #tpu.memory_space<semaphore_mem>>)
        %dma_wait3A_260 = arith.constant 0 : i32
        %dma_wait3A_261 = tpu.memref_slice %arg11[%run_scoped3A, %dma_wait3A_260] : memref<4x512xi32, #tpu.memory_space<vmem>> -> memref<1x512xi32, #tpu.memory_space<vmem>>
        %dma_wait3A_262 = tpu.memref_squeeze %dma_wait3A_261 : memref<1x512xi32, #tpu.memory_space<vmem>> -> memref<512xi32, #tpu.memory_space<vmem>>
        %dma_wait3A_263 = tpu.memref_slice %arg4[%mul3A_32] : memref<802816xi32, #tpu.memory_space<hbm>> -> memref<512xi32, #tpu.memory_space<hbm>>
        %dma_wait3A_264 = arith.constant 0 : i32
        %dma_wait3A_265 = tpu.memref_slice %arg11[%run_scoped3A, %dma_wait3A_264] : memref<4x512xi32, #tpu.memory_space<vmem>> -> memref<1x512xi32, #tpu.memory_space<vmem>>
        %dma_wait3A_266 = tpu.memref_squeeze %dma_wait3A_265 : memref<1x512xi32, #tpu.memory_space<vmem>> -> memref<512xi32, #tpu.memory_space<vmem>>
        %dma_wait3A_267 = tpu.memref_slice %arg4[%mul3A_32] : memref<802816xi32, #tpu.memory_space<hbm>> -> memref<512xi32, #tpu.memory_space<hbm>>
        tpu.wait_dma2 semaphore(%run_scoped3A_251 : memref<!tpu.dma_semaphore, #tpu.memory_space<semaphore_mem>>) src(%dma_wait3A_267 : memref<512xi32, #tpu.memory_space<hbm>>) dst(%dma_wait3A_266 : memref<512xi32, #tpu.memory_space<vmem>>)
        tpu.yield
      }) : () -> ()
      %add3A = arith.constant 0 : i32
      %add3A_33 = arith.addi %mul3A_32, %add3A : i32
      %run_scoped3A_34 = arith.constant 0 : i32
      %run_scoped3A_35 = arith.constant 0 : i32
      "tpu.region"() ({
        %run_scoped3A_251 = tpu.sem_alloc : memref<!tpu.dma_semaphore, #tpu.memory_space<semaphore_mem>>
        %dma_start3A_252 = arith.constant 0 : i32
        %dma_start3A_253 = tpu.memref_slice %arg12[%run_scoped3A_34, %run_scoped3A_35, %dma_start3A_252] : memref<4x4x128xi32, #tpu.memory_space<vmem>> -> memref<1x1x128xi32, #tpu.memory_space<vmem>>
        %dma_start3A_254 = tpu.memref_squeeze %dma_start3A_253 : memref<1x1x128xi32, #tpu.memory_space<vmem>> -> memref<128xi32, #tpu.memory_space<vmem>>
        %dma_start3A_255 = tpu.memref_slice %arg5[%add3A_33] : memref<802816xi32, #tpu.memory_space<hbm>> -> memref<128xi32, #tpu.memory_space<hbm>>
        %dma_start3A_256 = arith.constant 0 : i32
        %dma_start3A_257 = tpu.memref_slice %arg12[%run_scoped3A_34, %run_scoped3A_35, %dma_start3A_256] : memref<4x4x128xi32, #tpu.memory_space<vmem>> -> memref<1x1x128xi32, #tpu.memory_space<vmem>>
        %dma_start3A_258 = tpu.memref_squeeze %dma_start3A_257 : memref<1x1x128xi32, #tpu.memory_space<vmem>> -> memref<128xi32, #tpu.memory_space<vmem>>
        %dma_start3A_259 = tpu.memref_slice %arg5[%add3A_33] : memref<802816xi32, #tpu.memory_space<hbm>> -> memref<128xi32, #tpu.memory_space<hbm>>
        tpu.enqueue_dma source(%dma_start3A_259 : memref<128xi32, #tpu.memory_space<hbm>>) target(%dma_start3A_258 : memref<128xi32, #tpu.memory_space<vmem>>) target_semaphore(%run_scoped3A_251 : memref<!tpu.dma_semaphore, #tpu.memory_space<semaphore_mem>>)
        %dma_wait3A_260 = arith.constant 0 : i32
        %dma_wait3A_261 = tpu.memref_slice %arg12[%run_scoped3A_34, %run_scoped3A_35, %dma_wait3A_260] : memref<4x4x128xi32, #tpu.memory_space<vmem>> -> memref<1x1x128xi32, #tpu.memory_space<vmem>>
        %dma_wait3A_262 = tpu.memref_squeeze %dma_wait3A_261 : memref<1x1x128xi32, #tpu.memory_space<vmem>> -> memref<128xi32, #tpu.memory_space<vmem>>
        %dma_wait3A_263 = tpu.memref_slice %arg5[%add3A_33] : memref<802816xi32, #tpu.memory_space<hbm>> -> memref<128xi32, #tpu.memory_space<hbm>>
        %dma_wait3A_264 = arith.constant 0 : i32
        %dma_wait3A_265 = tpu.memref_slice %arg12[%run_scoped3A_34, %run_scoped3A_35, %dma_wait3A_264] : memref<4x4x128xi32, #tpu.memory_space<vmem>> -> memref<1x1x128xi32, #tpu.memory_space<vmem>>
        %dma_wait3A_266 = tpu.memref_squeeze %dma_wait3A_265 : memref<1x1x128xi32, #tpu.memory_space<vmem>> -> memref<128xi32, #tpu.memory_space<vmem>>
        %dma_wait3A_267 = tpu.memref_slice %arg5[%add3A_33] : memref<802816xi32, #tpu.memory_space<hbm>> -> memref<128xi32, #tpu.memory_space<hbm>>
        tpu.wait_dma2 semaphore(%run_scoped3A_251 : memref<!tpu.dma_semaphore, #tpu.memory_space<semaphore_mem>>) src(%dma_wait3A_267 : memref<128xi32, #tpu.memory_space<hbm>>) dst(%dma_wait3A_266 : memref<128xi32, #tpu.memory_space<vmem>>)
        tpu.yield
      }) : () -> ()
      %add3A_36 = arith.constant 128 : i32
      %add3A_37 = arith.addi %mul3A_32, %add3A_36 : i32
      %run_scoped3A_38 = arith.constant 0 : i32
      %run_scoped3A_39 = arith.constant 1 : i32
      "tpu.region"() ({
        %run_scoped3A_251 = tpu.sem_alloc : memref<!tpu.dma_semaphore, #tpu.memory_space<semaphore_mem>>
        %dma_start3A_252 = arith.constant 0 : i32
        %dma_start3A_253 = tpu.memref_slice %arg12[%run_scoped3A_38, %run_scoped3A_39, %dma_start3A_252] : memref<4x4x128xi32, #tpu.memory_space<vmem>> -> memref<1x1x128xi32, #tpu.memory_space<vmem>>
        %dma_start3A_254 = tpu.memref_squeeze %dma_start3A_253 : memref<1x1x128xi32, #tpu.memory_space<vmem>> -> memref<128xi32, #tpu.memory_space<vmem>>
        %dma_start3A_255 = tpu.memref_slice %arg5[%add3A_37] : memref<802816xi32, #tpu.memory_space<hbm>> -> memref<128xi32, #tpu.memory_space<hbm>>
        %dma_start3A_256 = arith.constant 0 : i32
        %dma_start3A_257 = tpu.memref_slice %arg12[%run_scoped3A_38, %run_scoped3A_39, %dma_start3A_256] : memref<4x4x128xi32, #tpu.memory_space<vmem>> -> memref<1x1x128xi32, #tpu.memory_space<vmem>>
        %dma_start3A_258 = tpu.memref_squeeze %dma_start3A_257 : memref<1x1x128xi32, #tpu.memory_space<vmem>> -> memref<128xi32, #tpu.memory_space<vmem>>
        %dma_start3A_259 = tpu.memref_slice %arg5[%add3A_37] : memref<802816xi32, #tpu.memory_space<hbm>> -> memref<128xi32, #tpu.memory_space<hbm>>
        tpu.enqueue_dma source(%dma_start3A_259 : memref<128xi32, #tpu.memory_space<hbm>>) target(%dma_start3A_258 : memref<128xi32, #tpu.memory_space<vmem>>) target_semaphore(%run_scoped3A_251 : memref<!tpu.dma_semaphore, #tpu.memory_space<semaphore_mem>>)
        %dma_wait3A_260 = arith.constant 0 : i32
        %dma_wait3A_261 = tpu.memref_slice %arg12[%run_scoped3A_38, %run_scoped3A_39, %dma_wait3A_260] : memref<4x4x128xi32, #tpu.memory_space<vmem>> -> memref<1x1x128xi32, #tpu.memory_space<vmem>>
        %dma_wait3A_262 = tpu.memref_squeeze %dma_wait3A_261 : memref<1x1x128xi32, #tpu.memory_space<vmem>> -> memref<128xi32, #tpu.memory_space<vmem>>
        %dma_wait3A_263 = tpu.memref_slice %arg5[%add3A_37] : memref<802816xi32, #tpu.memory_space<hbm>> -> memref<128xi32, #tpu.memory_space<hbm>>
        %dma_wait3A_264 = arith.constant 0 : i32
        %dma_wait3A_265 = tpu.memref_slice %arg12[%run_scoped3A_38, %run_scoped3A_39, %dma_wait3A_264] : memref<4x4x128xi32, #tpu.memory_space<vmem>> -> memref<1x1x128xi32, #tpu.memory_space<vmem>>
        %dma_wait3A_266 = tpu.memref_squeeze %dma_wait3A_265 : memref<1x1x128xi32, #tpu.memory_space<vmem>> -> memref<128xi32, #tpu.memory_space<vmem>>
        %dma_wait3A_267 = tpu.memref_slice %arg5[%add3A_37] : memref<802816xi32, #tpu.memory_space<hbm>> -> memref<128xi32, #tpu.memory_space<hbm>>
        tpu.wait_dma2 semaphore(%run_scoped3A_251 : memref<!tpu.dma_semaphore, #tpu.memory_space<semaphore_mem>>) src(%dma_wait3A_267 : memref<128xi32, #tpu.memory_space<hbm>>) dst(%dma_wait3A_266 : memref<128xi32, #tpu.memory_space<vmem>>)
        tpu.yield
      }) : () -> ()
      %add3A_40 = arith.constant 256 : i32
      %add3A_41 = arith.addi %mul3A_32, %add3A_40 : i32
      %run_scoped3A_42 = arith.constant 0 : i32
      %run_scoped3A_43 = arith.constant 2 : i32
      "tpu.region"() ({
        %run_scoped3A_251 = tpu.sem_alloc : memref<!tpu.dma_semaphore, #tpu.memory_space<semaphore_mem>>
        %dma_start3A_252 = arith.constant 0 : i32
        %dma_start3A_253 = tpu.memref_slice %arg12[%run_scoped3A_42, %run_scoped3A_43, %dma_start3A_252] : memref<4x4x128xi32, #tpu.memory_space<vmem>> -> memref<1x1x128xi32, #tpu.memory_space<vmem>>
        %dma_start3A_254 = tpu.memref_squeeze %dma_start3A_253 : memref<1x1x128xi32, #tpu.memory_space<vmem>> -> memref<128xi32, #tpu.memory_space<vmem>>
        %dma_start3A_255 = tpu.memref_slice %arg5[%add3A_41] : memref<802816xi32, #tpu.memory_space<hbm>> -> memref<128xi32, #tpu.memory_space<hbm>>
        %dma_start3A_256 = arith.constant 0 : i32
        %dma_start3A_257 = tpu.memref_slice %arg12[%run_scoped3A_42, %run_scoped3A_43, %dma_start3A_256] : memref<4x4x128xi32, #tpu.memory_space<vmem>> -> memref<1x1x128xi32, #tpu.memory_space<vmem>>
        %dma_start3A_258 = tpu.memref_squeeze %dma_start3A_257 : memref<1x1x128xi32, #tpu.memory_space<vmem>> -> memref<128xi32, #tpu.memory_space<vmem>>
        %dma_start3A_259 = tpu.memref_slice %arg5[%add3A_41] : memref<802816xi32, #tpu.memory_space<hbm>> -> memref<128xi32, #tpu.memory_space<hbm>>
        tpu.enqueue_dma source(%dma_start3A_259 : memref<128xi32, #tpu.memory_space<hbm>>) target(%dma_start3A_258 : memref<128xi32, #tpu.memory_space<vmem>>) target_semaphore(%run_scoped3A_251 : memref<!tpu.dma_semaphore, #tpu.memory_space<semaphore_mem>>)
        %dma_wait3A_260 = arith.constant 0 : i32
        %dma_wait3A_261 = tpu.memref_slice %arg12[%run_scoped3A_42, %run_scoped3A_43, %dma_wait3A_260] : memref<4x4x128xi32, #tpu.memory_space<vmem>> -> memref<1x1x128xi32, #tpu.memory_space<vmem>>
        %dma_wait3A_262 = tpu.memref_squeeze %dma_wait3A_261 : memref<1x1x128xi32, #tpu.memory_space<vmem>> -> memref<128xi32, #tpu.memory_space<vmem>>
        %dma_wait3A_263 = tpu.memref_slice %arg5[%add3A_41] : memref<802816xi32, #tpu.memory_space<hbm>> -> memref<128xi32, #tpu.memory_space<hbm>>
        %dma_wait3A_264 = arith.constant 0 : i32
        %dma_wait3A_265 = tpu.memref_slice %arg12[%run_scoped3A_42, %run_scoped3A_43, %dma_wait3A_264] : memref<4x4x128xi32, #tpu.memory_space<vmem>> -> memref<1x1x128xi32, #tpu.memory_space<vmem>>
        %dma_wait3A_266 = tpu.memref_squeeze %dma_wait3A_265 : memref<1x1x128xi32, #tpu.memory_space<vmem>> -> memref<128xi32, #tpu.memory_space<vmem>>
        %dma_wait3A_267 = tpu.memref_slice %arg5[%add3A_41] : memref<802816xi32, #tpu.memory_space<hbm>> -> memref<128xi32, #tpu.memory_space<hbm>>
        tpu.wait_dma2 semaphore(%run_scoped3A_251 : memref<!tpu.dma_semaphore, #tpu.memory_space<semaphore_mem>>) src(%dma_wait3A_267 : memref<128xi32, #tpu.memory_space<hbm>>) dst(%dma_wait3A_266 : memref<128xi32, #tpu.memory_space<vmem>>)
        tpu.yield
      }) : () -> ()
      %add3A_44 = arith.constant 384 : i32
      %add3A_45 = arith.addi %mul3A_32, %add3A_44 : i32
      %run_scoped3A_46 = arith.constant 0 : i32
      %run_scoped3A_47 = arith.constant 3 : i32
      "tpu.region"() ({
        %run_scoped3A_251 = tpu.sem_alloc : memref<!tpu.dma_semaphore, #tpu.memory_space<semaphore_mem>>
        %dma_start3A_252 = arith.constant 0 : i32
        %dma_start3A_253 = tpu.memref_slice %arg12[%run_scoped3A_46, %run_scoped3A_47, %dma_start3A_252] : memref<4x4x128xi32, #tpu.memory_space<vmem>> -> memref<1x1x128xi32, #tpu.memory_space<vmem>>
        %dma_start3A_254 = tpu.memref_squeeze %dma_start3A_253 : memref<1x1x128xi32, #tpu.memory_space<vmem>> -> memref<128xi32, #tpu.memory_space<vmem>>
        %dma_start3A_255 = tpu.memref_slice %arg5[%add3A_45] : memref<802816xi32, #tpu.memory_space<hbm>> -> memref<128xi32, #tpu.memory_space<hbm>>
        %dma_start3A_256 = arith.constant 0 : i32
        %dma_start3A_257 = tpu.memref_slice %arg12[%run_scoped3A_46, %run_scoped3A_47, %dma_start3A_256] : memref<4x4x128xi32, #tpu.memory_space<vmem>> -> memref<1x1x128xi32, #tpu.memory_space<vmem>>
        %dma_start3A_258 = tpu.memref_squeeze %dma_start3A_257 : memref<1x1x128xi32, #tpu.memory_space<vmem>> -> memref<128xi32, #tpu.memory_space<vmem>>
        %dma_start3A_259 = tpu.memref_slice %arg5[%add3A_45] : memref<802816xi32, #tpu.memory_space<hbm>> -> memref<128xi32, #tpu.memory_space<hbm>>
        tpu.enqueue_dma source(%dma_start3A_259 : memref<128xi32, #tpu.memory_space<hbm>>) target(%dma_start3A_258 : memref<128xi32, #tpu.memory_space<vmem>>) target_semaphore(%run_scoped3A_251 : memref<!tpu.dma_semaphore, #tpu.memory_space<semaphore_mem>>)
        %dma_wait3A_260 = arith.constant 0 : i32
        %dma_wait3A_261 = tpu.memref_slice %arg12[%run_scoped3A_46, %run_scoped3A_47, %dma_wait3A_260] : memref<4x4x128xi32, #tpu.memory_space<vmem>> -> memref<1x1x128xi32, #tpu.memory_space<vmem>>
        %dma_wait3A_262 = tpu.memref_squeeze %dma_wait3A_261 : memref<1x1x128xi32, #tpu.memory_space<vmem>> -> memref<128xi32, #tpu.memory_space<vmem>>
        %dma_wait3A_263 = tpu.memref_slice %arg5[%add3A_45] : memref<802816xi32, #tpu.memory_space<hbm>> -> memref<128xi32, #tpu.memory_space<hbm>>
        %dma_wait3A_264 = arith.constant 0 : i32
        %dma_wait3A_265 = tpu.memref_slice %arg12[%run_scoped3A_46, %run_scoped3A_47, %dma_wait3A_264] : memref<4x4x128xi32, #tpu.memory_space<vmem>> -> memref<1x1x128xi32, #tpu.memory_space<vmem>>
        %dma_wait3A_266 = tpu.memref_squeeze %dma_wait3A_265 : memref<1x1x128xi32, #tpu.memory_space<vmem>> -> memref<128xi32, #tpu.memory_space<vmem>>
        %dma_wait3A_267 = tpu.memref_slice %arg5[%add3A_45] : memref<802816xi32, #tpu.memory_space<hbm>> -> memref<128xi32, #tpu.memory_space<hbm>>
        tpu.wait_dma2 semaphore(%run_scoped3A_251 : memref<!tpu.dma_semaphore, #tpu.memory_space<semaphore_mem>>) src(%dma_wait3A_267 : memref<128xi32, #tpu.memory_space<hbm>>) dst(%dma_wait3A_266 : memref<128xi32, #tpu.memory_space<vmem>>)
        tpu.yield
      }) : () -> ()
      %add3A_48 = arith.constant 1 : i32
      %add3A_49 = arith.addi %mul3A_30, %add3A_48 : i32
      %mul3A_50 = arith.constant 512 : i32
      %mul3A_51 = arith.muli %add3A_49, %mul3A_50 : i32
      %dma_start3A = arith.constant 1 : i32
      %dma_start3A_52 = arith.constant 0 : i32
      %dma_start3A_53 = tpu.memref_slice %arg11[%dma_start3A, %dma_start3A_52] : memref<4x512xi32, #tpu.memory_space<vmem>> -> memref<1x512xi32, #tpu.memory_space<vmem>>
      %dma_start3A_54 = tpu.memref_squeeze %dma_start3A_53 : memref<1x512xi32, #tpu.memory_space<vmem>> -> memref<512xi32, #tpu.memory_space<vmem>>
      %dma_start3A_55 = tpu.memref_slice %arg4[%mul3A_51] : memref<802816xi32, #tpu.memory_space<hbm>> -> memref<512xi32, #tpu.memory_space<hbm>>
      %dma_start3A_56 = arith.constant 0 : i32
      %dma_start3A_57 = tpu.memref_slice %arg11[%dma_start3A, %dma_start3A_56] : memref<4x512xi32, #tpu.memory_space<vmem>> -> memref<1x512xi32, #tpu.memory_space<vmem>>
      %dma_start3A_58 = tpu.memref_squeeze %dma_start3A_57 : memref<1x512xi32, #tpu.memory_space<vmem>> -> memref<512xi32, #tpu.memory_space<vmem>>
      %dma_start3A_59 = tpu.memref_slice %arg4[%mul3A_51] : memref<802816xi32, #tpu.memory_space<hbm>> -> memref<512xi32, #tpu.memory_space<hbm>>
      tpu.enqueue_dma source(%dma_start3A_59 : memref<512xi32, #tpu.memory_space<hbm>>) target(%dma_start3A_58 : memref<512xi32, #tpu.memory_space<vmem>>) target_semaphore(%arg17 : memref<!tpu.dma_semaphore, #tpu.memory_space<semaphore_mem>>)
      %add3A_60 = arith.constant 0 : i32
      %add3A_61 = arith.addi %mul3A_51, %add3A_60 : i32
      %dma_start3A_62 = arith.constant 1 : i32
      %dma_start3A_63 = arith.constant 0 : i32
      %dma_start3A_64 = arith.constant 0 : i32
      %dma_start3A_65 = tpu.memref_slice %arg12[%dma_start3A_62, %dma_start3A_63, %dma_start3A_64] : memref<4x4x128xi32, #tpu.memory_space<vmem>> -> memref<1x1x128xi32, #tpu.memory_space<vmem>>
      %dma_start3A_66 = tpu.memref_squeeze %dma_start3A_65 : memref<1x1x128xi32, #tpu.memory_space<vmem>> -> memref<128xi32, #tpu.memory_space<vmem>>
      %dma_start3A_67 = tpu.memref_slice %arg5[%add3A_61] : memref<802816xi32, #tpu.memory_space<hbm>> -> memref<128xi32, #tpu.memory_space<hbm>>
      %dma_start3A_68 = arith.constant 0 : i32
      %dma_start3A_69 = tpu.memref_slice %arg12[%dma_start3A_62, %dma_start3A_63, %dma_start3A_68] : memref<4x4x128xi32, #tpu.memory_space<vmem>> -> memref<1x1x128xi32, #tpu.memory_space<vmem>>
      %dma_start3A_70 = tpu.memref_squeeze %dma_start3A_69 : memref<1x1x128xi32, #tpu.memory_space<vmem>> -> memref<128xi32, #tpu.memory_space<vmem>>
      %dma_start3A_71 = tpu.memref_slice %arg5[%add3A_61] : memref<802816xi32, #tpu.memory_space<hbm>> -> memref<128xi32, #tpu.memory_space<hbm>>
      tpu.enqueue_dma source(%dma_start3A_71 : memref<128xi32, #tpu.memory_space<hbm>>) target(%dma_start3A_70 : memref<128xi32, #tpu.memory_space<vmem>>) target_semaphore(%arg17 : memref<!tpu.dma_semaphore, #tpu.memory_space<semaphore_mem>>)
      %add3A_72 = arith.constant 128 : i32
      %add3A_73 = arith.addi %mul3A_51, %add3A_72 : i32
      %dma_start3A_74 = arith.constant 1 : i32
      %dma_start3A_75 = arith.constant 1 : i32
      %dma_start3A_76 = arith.constant 0 : i32
      %dma_start3A_77 = tpu.memref_slice %arg12[%dma_start3A_74, %dma_start3A_75, %dma_start3A_76] : memref<4x4x128xi32, #tpu.memory_space<vmem>> -> memref<1x1x128xi32, #tpu.memory_space<vmem>>
      %dma_start3A_78 = tpu.memref_squeeze %dma_start3A_77 : memref<1x1x128xi32, #tpu.memory_space<vmem>> -> memref<128xi32, #tpu.memory_space<vmem>>
      %dma_start3A_79 = tpu.memref_slice %arg5[%add3A_73] : memref<802816xi32, #tpu.memory_space<hbm>> -> memref<128xi32, #tpu.memory_space<hbm>>
      %dma_start3A_80 = arith.constant 0 : i32
      %dma_start3A_81 = tpu.memref_slice %arg12[%dma_start3A_74, %dma_start3A_75, %dma_start3A_80] : memref<4x4x128xi32, #tpu.memory_space<vmem>> -> memref<1x1x128xi32, #tpu.memory_space<vmem>>
      %dma_start3A_82 = tpu.memref_squeeze %dma_start3A_81 : memref<1x1x128xi32, #tpu.memory_space<vmem>> -> memref<128xi32, #tpu.memory_space<vmem>>
      %dma_start3A_83 = tpu.memref_slice %arg5[%add3A_73] : memref<802816xi32, #tpu.memory_space<hbm>> -> memref<128xi32, #tpu.memory_space<hbm>>
      tpu.enqueue_dma source(%dma_start3A_83 : memref<128xi32, #tpu.memory_space<hbm>>) target(%dma_start3A_82 : memref<128xi32, #tpu.memory_space<vmem>>) target_semaphore(%arg17 : memref<!tpu.dma_semaphore, #tpu.memory_space<semaphore_mem>>)
      %add3A_84 = arith.constant 256 : i32
      %add3A_85 = arith.addi %mul3A_51, %add3A_84 : i32
      %dma_start3A_86 = arith.constant 1 : i32
      %dma_start3A_87 = arith.constant 2 : i32
      %dma_start3A_88 = arith.constant 0 : i32
      %dma_start3A_89 = tpu.memref_slice %arg12[%dma_start3A_86, %dma_start3A_87, %dma_start3A_88] : memref<4x4x128xi32, #tpu.memory_space<vmem>> -> memref<1x1x128xi32, #tpu.memory_space<vmem>>
      %dma_start3A_90 = tpu.memref_squeeze %dma_start3A_89 : memref<1x1x128xi32, #tpu.memory_space<vmem>> -> memref<128xi32, #tpu.memory_space<vmem>>
      %dma_start3A_91 = tpu.memref_slice %arg5[%add3A_85] : memref<802816xi32, #tpu.memory_space<hbm>> -> memref<128xi32, #tpu.memory_space<hbm>>
      %dma_start3A_92 = arith.constant 0 : i32
      %dma_start3A_93 = tpu.memref_slice %arg12[%dma_start3A_86, %dma_start3A_87, %dma_start3A_92] : memref<4x4x128xi32, #tpu.memory_space<vmem>> -> memref<1x1x128xi32, #tpu.memory_space<vmem>>
      %dma_start3A_94 = tpu.memref_squeeze %dma_start3A_93 : memref<1x1x128xi32, #tpu.memory_space<vmem>> -> memref<128xi32, #tpu.memory_space<vmem>>
      %dma_start3A_95 = tpu.memref_slice %arg5[%add3A_85] : memref<802816xi32, #tpu.memory_space<hbm>> -> memref<128xi32, #tpu.memory_space<hbm>>
      tpu.enqueue_dma source(%dma_start3A_95 : memref<128xi32, #tpu.memory_space<hbm>>) target(%dma_start3A_94 : memref<128xi32, #tpu.memory_space<vmem>>) target_semaphore(%arg17 : memref<!tpu.dma_semaphore, #tpu.memory_space<semaphore_mem>>)
      %add3A_96 = arith.constant 384 : i32
      %add3A_97 = arith.addi %mul3A_51, %add3A_96 : i32
      %dma_start3A_98 = arith.constant 1 : i32
      %dma_start3A_99 = arith.constant 3 : i32
      %dma_start3A_100 = arith.constant 0 : i32
      %dma_start3A_101 = tpu.memref_slice %arg12[%dma_start3A_98, %dma_start3A_99, %dma_start3A_100] : memref<4x4x128xi32, #tpu.memory_space<vmem>> -> memref<1x1x128xi32, #tpu.memory_space<vmem>>
      %dma_start3A_102 = tpu.memref_squeeze %dma_start3A_101 : memref<1x1x128xi32, #tpu.memory_space<vmem>> -> memref<128xi32, #tpu.memory_space<vmem>>
      %dma_start3A_103 = tpu.memref_slice %arg5[%add3A_97] : memref<802816xi32, #tpu.memory_space<hbm>> -> memref<128xi32, #tpu.memory_space<hbm>>
      %dma_start3A_104 = arith.constant 0 : i32
      %dma_start3A_105 = tpu.memref_slice %arg12[%dma_start3A_98, %dma_start3A_99, %dma_start3A_104] : memref<4x4x128xi32, #tpu.memory_space<vmem>> -> memref<1x1x128xi32, #tpu.memory_space<vmem>>
      %dma_start3A_106 = tpu.memref_squeeze %dma_start3A_105 : memref<1x1x128xi32, #tpu.memory_space<vmem>> -> memref<128xi32, #tpu.memory_space<vmem>>
      %dma_start3A_107 = tpu.memref_slice %arg5[%add3A_97] : memref<802816xi32, #tpu.memory_space<hbm>> -> memref<128xi32, #tpu.memory_space<hbm>>
      tpu.enqueue_dma source(%dma_start3A_107 : memref<128xi32, #tpu.memory_space<hbm>>) target(%dma_start3A_106 : memref<128xi32, #tpu.memory_space<vmem>>) target_semaphore(%arg17 : memref<!tpu.dma_semaphore, #tpu.memory_space<semaphore_mem>>)
      %dma_start3A_108 = arith.constant 0 : i32
      %dma_start3A_109 = arith.constant 0 : i32
      %dma_start3A_110 = arith.constant 0 : i32
      %dma_start3A_111 = arith.constant 0 : i32
      %dma_start3A_112 = tpu.memref_slice %arg13[%dma_start3A_109, %dma_start3A_110, %dma_start3A_111] : memref<6x128x32xf32, #tpu.memory_space<vmem>> -> memref<1x128x32xf32, #tpu.memory_space<vmem>>
      %dma_start3A_113 = tpu.memref_squeeze %dma_start3A_112 : memref<1x128x32xf32, #tpu.memory_space<vmem>> -> memref<128x32xf32, #tpu.memory_space<vmem>>
      %dma_start3A_114 = arith.constant 0 : i32
      %dma_start3A_115 = tpu.memref_slice %arg11[%dma_start3A_108, %dma_start3A_114] : memref<4x512xi32, #tpu.memory_space<vmem>> -> memref<1x128xi32, #tpu.memory_space<vmem>>
      %dma_start3A_116 = tpu.memref_squeeze %dma_start3A_115 : memref<1x128xi32, #tpu.memory_space<vmem>> -> memref<128xi32, #tpu.memory_space<vmem>>
      %dma_start3A_117 = arith.constant 0 : i32
      %dma_start3A_118 = arith.constant 0 : i32
      %dma_start3A_119 = tpu.memref_slice %arg2[%dma_start3A_117, %dma_start3A_118] : memref<50048x32xf32, #tpu.memory_space<hbm>> -> memref<50048x32xf32, #tpu.memory_space<hbm>>
      tpu.enqueue_indirect_dma source(%dma_start3A_119 : memref<50048x32xf32, #tpu.memory_space<hbm>>) target(%dma_start3A_113 : memref<128x32xf32, #tpu.memory_space<vmem>>) offsets(%dma_start3A_116 : memref<128xi32, #tpu.memory_space<vmem>>) semaphore(%arg15 : memref<!tpu.dma_semaphore, #tpu.memory_space<semaphore_mem>>)
      %dma_start3A_120 = arith.constant 0 : i32
      %dma_start3A_121 = arith.constant 1 : i32
      %dma_start3A_122 = arith.constant 0 : i32
      %dma_start3A_123 = arith.constant 0 : i32
      %dma_start3A_124 = tpu.memref_slice %arg13[%dma_start3A_121, %dma_start3A_122, %dma_start3A_123] : memref<6x128x32xf32, #tpu.memory_space<vmem>> -> memref<1x128x32xf32, #tpu.memory_space<vmem>>
      %dma_start3A_125 = tpu.memref_squeeze %dma_start3A_124 : memref<1x128x32xf32, #tpu.memory_space<vmem>> -> memref<128x32xf32, #tpu.memory_space<vmem>>
      %dma_start3A_126 = arith.constant 128 : i32
      %dma_start3A_127 = tpu.memref_slice %arg11[%dma_start3A_120, %dma_start3A_126] : memref<4x512xi32, #tpu.memory_space<vmem>> -> memref<1x128xi32, #tpu.memory_space<vmem>>
      %dma_start3A_128 = tpu.memref_squeeze %dma_start3A_127 : memref<1x128xi32, #tpu.memory_space<vmem>> -> memref<128xi32, #tpu.memory_space<vmem>>
      %dma_start3A_129 = arith.constant 0 : i32
      %dma_start3A_130 = arith.constant 0 : i32
      %dma_start3A_131 = tpu.memref_slice %arg2[%dma_start3A_129, %dma_start3A_130] : memref<50048x32xf32, #tpu.memory_space<hbm>> -> memref<50048x32xf32, #tpu.memory_space<hbm>>
      tpu.enqueue_indirect_dma source(%dma_start3A_131 : memref<50048x32xf32, #tpu.memory_space<hbm>>) target(%dma_start3A_125 : memref<128x32xf32, #tpu.memory_space<vmem>>) offsets(%dma_start3A_128 : memref<128xi32, #tpu.memory_space<vmem>>) semaphore(%arg15 : memref<!tpu.dma_semaphore, #tpu.memory_space<semaphore_mem>>)
      %dma_start3A_132 = arith.constant 0 : i32
      %dma_start3A_133 = arith.constant 2 : i32
      %dma_start3A_134 = arith.constant 0 : i32
      %dma_start3A_135 = arith.constant 0 : i32
      %dma_start3A_136 = tpu.memref_slice %arg13[%dma_start3A_133, %dma_start3A_134, %dma_start3A_135] : memref<6x128x32xf32, #tpu.memory_space<vmem>> -> memref<1x128x32xf32, #tpu.memory_space<vmem>>
      %dma_start3A_137 = tpu.memref_squeeze %dma_start3A_136 : memref<1x128x32xf32, #tpu.memory_space<vmem>> -> memref<128x32xf32, #tpu.memory_space<vmem>>
      %dma_start3A_138 = arith.constant 256 : i32
      %dma_start3A_139 = tpu.memref_slice %arg11[%dma_start3A_132, %dma_start3A_138] : memref<4x512xi32, #tpu.memory_space<vmem>> -> memref<1x128xi32, #tpu.memory_space<vmem>>
      %dma_start3A_140 = tpu.memref_squeeze %dma_start3A_139 : memref<1x128xi32, #tpu.memory_space<vmem>> -> memref<128xi32, #tpu.memory_space<vmem>>
      %dma_start3A_141 = arith.constant 0 : i32
      %dma_start3A_142 = arith.constant 0 : i32
      %dma_start3A_143 = tpu.memref_slice %arg2[%dma_start3A_141, %dma_start3A_142] : memref<50048x32xf32, #tpu.memory_space<hbm>> -> memref<50048x32xf32, #tpu.memory_space<hbm>>
      tpu.enqueue_indirect_dma source(%dma_start3A_143 : memref<50048x32xf32, #tpu.memory_space<hbm>>) target(%dma_start3A_137 : memref<128x32xf32, #tpu.memory_space<vmem>>) offsets(%dma_start3A_140 : memref<128xi32, #tpu.memory_space<vmem>>) semaphore(%arg15 : memref<!tpu.dma_semaphore, #tpu.memory_space<semaphore_mem>>)
      %dma_start3A_144 = arith.constant 0 : i32
      %dma_start3A_145 = arith.constant 3 : i32
      %dma_start3A_146 = arith.constant 0 : i32
      %dma_start3A_147 = arith.constant 0 : i32
      %dma_start3A_148 = tpu.memref_slice %arg13[%dma_start3A_145, %dma_start3A_146, %dma_start3A_147] : memref<6x128x32xf32, #tpu.memory_space<vmem>> -> memref<1x128x32xf32, #tpu.memory_space<vmem>>
      %dma_start3A_149 = tpu.memref_squeeze %dma_start3A_148 : memref<1x128x32xf32, #tpu.memory_space<vmem>> -> memref<128x32xf32, #tpu.memory_space<vmem>>
      %dma_start3A_150 = arith.constant 384 : i32
      %dma_start3A_151 = tpu.memref_slice %arg11[%dma_start3A_144, %dma_start3A_150] : memref<4x512xi32, #tpu.memory_space<vmem>> -> memref<1x128xi32, #tpu.memory_space<vmem>>
      %dma_start3A_152 = tpu.memref_squeeze %dma_start3A_151 : memref<1x128xi32, #tpu.memory_space<vmem>> -> memref<128xi32, #tpu.memory_space<vmem>>
      %dma_start3A_153 = arith.constant 0 : i32
      %dma_start3A_154 = arith.constant 0 : i32
      %dma_start3A_155 = tpu.memref_slice %arg2[%dma_start3A_153, %dma_start3A_154] : memref<50048x32xf32, #tpu.memory_space<hbm>> -> memref<50048x32xf32, #tpu.memory_space<hbm>>
      tpu.enqueue_indirect_dma source(%dma_start3A_155 : memref<50048x32xf32, #tpu.memory_space<hbm>>) target(%dma_start3A_149 : memref<128x32xf32, #tpu.memory_space<vmem>>) offsets(%dma_start3A_152 : memref<128xi32, #tpu.memory_space<vmem>>) semaphore(%arg15 : memref<!tpu.dma_semaphore, #tpu.memory_space<semaphore_mem>>)
      %scan3A_156 = arith.constant 0 : i32
      %scan3A_157 = arith.constant 0 : i32
      %scan3A_158 = arith.constant 392 : i32
      %scan3A_159 = arith.addi %scan3A_157, %scan3A_158 : i32
      %scan3A_160 = arith.constant 1 : i32
      scf.for %scan3A_251 = %scan3A_157 to %scan3A_159 step %scan3A_160  : i32 {
        %jit3A = arith.constant 4 : i32
        %div3A = arith.divsi %scan3A_251, %jit3A : i32
        %sign3A = arith.constant 0 : i32
        %sign3A_252 = arith.cmpi sgt, %scan3A_251, %sign3A : i32
        %sign3A_253 = arith.extui %sign3A_252 : i1 to i32
        %sign3A_254 = arith.constant 0 : i32
        %sign3A_255 = arith.cmpi slt, %scan3A_251, %sign3A_254 : i32
        %sign3A_256 = arith.extui %sign3A_255 : i1 to i32
        %sign3A_257 = arith.subi %sign3A_253, %sign3A_256 : i32
        %sign3A_258 = arith.constant 0 : i32
        %sign3A_259 = arith.cmpi sgt, %jit3A, %sign3A_258 : i32
        %sign3A_260 = arith.extui %sign3A_259 : i1 to i32
        %sign3A_261 = arith.constant 0 : i32
        %sign3A_262 = arith.cmpi slt, %jit3A, %sign3A_261 : i32
        %sign3A_263 = arith.extui %sign3A_262 : i1 to i32
        %sign3A_264 = arith.subi %sign3A_260, %sign3A_263 : i32
        %ne3A = arith.cmpi ne, %sign3A_257, %sign3A_264 : i32
        %rem3A = arith.remsi %scan3A_251, %jit3A : i32
        %ne3A_265 = arith.constant 0 : i32
        %ne3A_266 = arith.cmpi ne, %rem3A, %ne3A_265 : i32
        %and3A = arith.andi %ne3A, %ne3A_266 : i1
        %sub3A = arith.constant 1 : i32
        %sub3A_267 = arith.subi %div3A, %sub3A : i32
        %select_n3A = arith.select %and3A, %sub3A_267, %div3A : i32
        %jit3A_268 = arith.constant 4 : i32
        %eq3A_269 = arith.constant 0 : i32
        %eq3A_270 = arith.cmpi eq, %jit3A_268, %eq3A_269 : i32
        %jit3A_271 = arith.constant 1 : i32
        %select_n3A_272 = arith.select %eq3A_270, %jit3A_271, %jit3A_268 : i32
        %rem3A_273 = arith.remsi %scan3A_251, %select_n3A_272 : i32
        %ne3A_274 = arith.constant 0 : i32
        %ne3A_275 = arith.cmpi ne, %rem3A_273, %ne3A_274 : i32
        %lt3A = arith.constant 0 : i32
        %lt3A_276 = arith.cmpi slt, %rem3A_273, %lt3A : i32
        %lt3A_277 = arith.constant 0 : i32
        %lt3A_278 = arith.cmpi slt, %select_n3A_272, %lt3A_277 : i32
        %ne3A_279 = arith.xori %lt3A_276, %lt3A_278 : i1
        %and3A_280 = arith.andi %ne3A_279, %ne3A_275 : i1
        %add3A_281 = arith.addi %rem3A_273, %select_n3A_272 : i32
        %select_n3A_282 = arith.select %and3A_280, %add3A_281, %rem3A_273 : i32
        %eq3A_283 = arith.constant 0 : i32
        %eq3A_284 = arith.cmpi eq, %select_n3A_282, %eq3A_283 : i32
        %add3A_285 = arith.constant 1 : i32
        %add3A_286 = arith.addi %select_n3A, %add3A_285 : i32
        %lt3A_287 = arith.constant 98 : i32
        %lt3A_288 = arith.cmpi slt, %add3A_286, %lt3A_287 : i32
        %and3A_289 = arith.andi %eq3A_284, %lt3A_288 : i1
        %convert_element_type3A_290 = arith.extui %and3A_289 : i1 to i32
        %cond3A_291 = arith.constant 0 : i32
        %cond3A_292 = arith.cmpi ne, %convert_element_type3A_290, %cond3A_291 : i32
        scf.if %cond3A_292 {
          %dma_wait3A_374 = arith.constant 0 : i32
          %dma_wait3A_375 = arith.constant 0 : i32
          %dma_wait3A_376 = tpu.memref_slice %arg11[%dma_wait3A_374, %dma_wait3A_375] : memref<4x512xi32, #tpu.memory_space<vmem>> -> memref<1x512xi32, #tpu.memory_space<vmem>>
          %dma_wait3A_377 = tpu.memref_squeeze %dma_wait3A_376 : memref<1x512xi32, #tpu.memory_space<vmem>> -> memref<512xi32, #tpu.memory_space<vmem>>
          %dma_wait3A_378 = arith.constant 0 : i32
          %dma_wait3A_379 = tpu.memref_slice %arg4[%dma_wait3A_378] : memref<802816xi32, #tpu.memory_space<hbm>> -> memref<512xi32, #tpu.memory_space<hbm>>
          %dma_wait3A_380 = arith.constant 0 : i32
          %dma_wait3A_381 = tpu.memref_slice %arg11[%dma_wait3A_374, %dma_wait3A_380] : memref<4x512xi32, #tpu.memory_space<vmem>> -> memref<1x512xi32, #tpu.memory_space<vmem>>
          %dma_wait3A_382 = tpu.memref_squeeze %dma_wait3A_381 : memref<1x512xi32, #tpu.memory_space<vmem>> -> memref<512xi32, #tpu.memory_space<vmem>>
          %dma_wait3A_383 = arith.constant 0 : i32
          %dma_wait3A_384 = tpu.memref_slice %arg4[%dma_wait3A_383] : memref<802816xi32, #tpu.memory_space<hbm>> -> memref<512xi32, #tpu.memory_space<hbm>>
          tpu.wait_dma2 semaphore(%arg17 : memref<!tpu.dma_semaphore, #tpu.memory_space<semaphore_mem>>) src(%dma_wait3A_384 : memref<512xi32, #tpu.memory_space<hbm>>) dst(%dma_wait3A_382 : memref<512xi32, #tpu.memory_space<vmem>>)
          %dma_wait3A_385 = arith.constant 0 : i32
          %dma_wait3A_386 = arith.constant 0 : i32
          %dma_wait3A_387 = arith.constant 0 : i32
          %dma_wait3A_388 = tpu.memref_slice %arg12[%dma_wait3A_385, %dma_wait3A_386, %dma_wait3A_387] : memref<4x4x128xi32, #tpu.memory_space<vmem>> -> memref<1x1x128xi32, #tpu.memory_space<vmem>>
          %dma_wait3A_389 = tpu.memref_squeeze %dma_wait3A_388 : memref<1x1x128xi32, #tpu.memory_space<vmem>> -> memref<128xi32, #tpu.memory_space<vmem>>
          %dma_wait3A_390 = arith.constant 0 : i32
          %dma_wait3A_391 = tpu.memref_slice %arg5[%dma_wait3A_390] : memref<802816xi32, #tpu.memory_space<hbm>> -> memref<128xi32, #tpu.memory_space<hbm>>
          %dma_wait3A_392 = arith.constant 0 : i32
          %dma_wait3A_393 = tpu.memref_slice %arg12[%dma_wait3A_385, %dma_wait3A_386, %dma_wait3A_392] : memref<4x4x128xi32, #tpu.memory_space<vmem>> -> memref<1x1x128xi32, #tpu.memory_space<vmem>>
          %dma_wait3A_394 = tpu.memref_squeeze %dma_wait3A_393 : memref<1x1x128xi32, #tpu.memory_space<vmem>> -> memref<128xi32, #tpu.memory_space<vmem>>
          %dma_wait3A_395 = arith.constant 0 : i32
          %dma_wait3A_396 = tpu.memref_slice %arg5[%dma_wait3A_395] : memref<802816xi32, #tpu.memory_space<hbm>> -> memref<128xi32, #tpu.memory_space<hbm>>
          tpu.wait_dma2 semaphore(%arg17 : memref<!tpu.dma_semaphore, #tpu.memory_space<semaphore_mem>>) src(%dma_wait3A_396 : memref<128xi32, #tpu.memory_space<hbm>>) dst(%dma_wait3A_394 : memref<128xi32, #tpu.memory_space<vmem>>)
          %dma_wait3A_397 = arith.constant 0 : i32
          %dma_wait3A_398 = arith.constant 1 : i32
          %dma_wait3A_399 = arith.constant 0 : i32
          %dma_wait3A_400 = tpu.memref_slice %arg12[%dma_wait3A_397, %dma_wait3A_398, %dma_wait3A_399] : memref<4x4x128xi32, #tpu.memory_space<vmem>> -> memref<1x1x128xi32, #tpu.memory_space<vmem>>
          %dma_wait3A_401 = tpu.memref_squeeze %dma_wait3A_400 : memref<1x1x128xi32, #tpu.memory_space<vmem>> -> memref<128xi32, #tpu.memory_space<vmem>>
          %dma_wait3A_402 = arith.constant 0 : i32
          %dma_wait3A_403 = tpu.memref_slice %arg5[%dma_wait3A_402] : memref<802816xi32, #tpu.memory_space<hbm>> -> memref<128xi32, #tpu.memory_space<hbm>>
          %dma_wait3A_404 = arith.constant 0 : i32
          %dma_wait3A_405 = tpu.memref_slice %arg12[%dma_wait3A_397, %dma_wait3A_398, %dma_wait3A_404] : memref<4x4x128xi32, #tpu.memory_space<vmem>> -> memref<1x1x128xi32, #tpu.memory_space<vmem>>
          %dma_wait3A_406 = tpu.memref_squeeze %dma_wait3A_405 : memref<1x1x128xi32, #tpu.memory_space<vmem>> -> memref<128xi32, #tpu.memory_space<vmem>>
          %dma_wait3A_407 = arith.constant 0 : i32
          %dma_wait3A_408 = tpu.memref_slice %arg5[%dma_wait3A_407] : memref<802816xi32, #tpu.memory_space<hbm>> -> memref<128xi32, #tpu.memory_space<hbm>>
          tpu.wait_dma2 semaphore(%arg17 : memref<!tpu.dma_semaphore, #tpu.memory_space<semaphore_mem>>) src(%dma_wait3A_408 : memref<128xi32, #tpu.memory_space<hbm>>) dst(%dma_wait3A_406 : memref<128xi32, #tpu.memory_space<vmem>>)
          %dma_wait3A_409 = arith.constant 0 : i32
          %dma_wait3A_410 = arith.constant 2 : i32
          %dma_wait3A_411 = arith.constant 0 : i32
          %dma_wait3A_412 = tpu.memref_slice %arg12[%dma_wait3A_409, %dma_wait3A_410, %dma_wait3A_411] : memref<4x4x128xi32, #tpu.memory_space<vmem>> -> memref<1x1x128xi32, #tpu.memory_space<vmem>>
          %dma_wait3A_413 = tpu.memref_squeeze %dma_wait3A_412 : memref<1x1x128xi32, #tpu.memory_space<vmem>> -> memref<128xi32, #tpu.memory_space<vmem>>
          %dma_wait3A_414 = arith.constant 0 : i32
          %dma_wait3A_415 = tpu.memref_slice %arg5[%dma_wait3A_414] : memref<802816xi32, #tpu.memory_space<hbm>> -> memref<128xi32, #tpu.memory_space<hbm>>
          %dma_wait3A_416 = arith.constant 0 : i32
          %dma_wait3A_417 = tpu.memref_slice %arg12[%dma_wait3A_409, %dma_wait3A_410, %dma_wait3A_416] : memref<4x4x128xi32, #tpu.memory_space<vmem>> -> memref<1x1x128xi32, #tpu.memory_space<vmem>>
          %dma_wait3A_418 = tpu.memref_squeeze %dma_wait3A_417 : memref<1x1x128xi32, #tpu.memory_space<vmem>> -> memref<128xi32, #tpu.memory_space<vmem>>
          %dma_wait3A_419 = arith.constant 0 : i32
          %dma_wait3A_420 = tpu.memref_slice %arg5[%dma_wait3A_419] : memref<802816xi32, #tpu.memory_space<hbm>> -> memref<128xi32, #tpu.memory_space<hbm>>
          tpu.wait_dma2 semaphore(%arg17 : memref<!tpu.dma_semaphore, #tpu.memory_space<semaphore_mem>>) src(%dma_wait3A_420 : memref<128xi32, #tpu.memory_space<hbm>>) dst(%dma_wait3A_418 : memref<128xi32, #tpu.memory_space<vmem>>)
          %dma_wait3A_421 = arith.constant 0 : i32
          %dma_wait3A_422 = arith.constant 3 : i32
          %dma_wait3A_423 = arith.constant 0 : i32
          %dma_wait3A_424 = tpu.memref_slice %arg12[%dma_wait3A_421, %dma_wait3A_422, %dma_wait3A_423] : memref<4x4x128xi32, #tpu.memory_space<vmem>> -> memref<1x1x128xi32, #tpu.memory_space<vmem>>
          %dma_wait3A_425 = tpu.memref_squeeze %dma_wait3A_424 : memref<1x1x128xi32, #tpu.memory_space<vmem>> -> memref<128xi32, #tpu.memory_space<vmem>>
          %dma_wait3A_426 = arith.constant 0 : i32
          %dma_wait3A_427 = tpu.memref_slice %arg5[%dma_wait3A_426] : memref<802816xi32, #tpu.memory_space<hbm>> -> memref<128xi32, #tpu.memory_space<hbm>>
          %dma_wait3A_428 = arith.constant 0 : i32
          %dma_wait3A_429 = tpu.memref_slice %arg12[%dma_wait3A_421, %dma_wait3A_422, %dma_wait3A_428] : memref<4x4x128xi32, #tpu.memory_space<vmem>> -> memref<1x1x128xi32, #tpu.memory_space<vmem>>
          %dma_wait3A_430 = tpu.memref_squeeze %dma_wait3A_429 : memref<1x1x128xi32, #tpu.memory_space<vmem>> -> memref<128xi32, #tpu.memory_space<vmem>>
          %dma_wait3A_431 = arith.constant 0 : i32
          %dma_wait3A_432 = tpu.memref_slice %arg5[%dma_wait3A_431] : memref<802816xi32, #tpu.memory_space<hbm>> -> memref<128xi32, #tpu.memory_space<hbm>>
          tpu.wait_dma2 semaphore(%arg17 : memref<!tpu.dma_semaphore, #tpu.memory_space<semaphore_mem>>) src(%dma_wait3A_432 : memref<128xi32, #tpu.memory_space<hbm>>) dst(%dma_wait3A_430 : memref<128xi32, #tpu.memory_space<vmem>>)
        } else {
        }
        %eq3A_293 = arith.constant 2 : i32
        %eq3A_294 = arith.cmpi eq, %select_n3A_282, %eq3A_293 : i32
        %add3A_295 = arith.constant 2 : i32
        %add3A_296 = arith.addi %select_n3A, %add3A_295 : i32
        %lt3A_297 = arith.constant 98 : i32
        %lt3A_298 = arith.cmpi slt, %add3A_296, %lt3A_297 : i32
        %and3A_299 = arith.andi %eq3A_294, %lt3A_298 : i1
        %convert_element_type3A_300 = arith.extui %and3A_299 : i1 to i32
        %cond3A_301 = arith.constant 0 : i32
        %cond3A_302 = arith.cmpi ne, %convert_element_type3A_300, %cond3A_301 : i32
        scf.if %cond3A_302 {
          %add3A_374 = arith.constant 2 : i32
          %add3A_375 = arith.addi %select_n3A, %add3A_374 : i32
          %add3A_376 = arith.constant 2 : i32
          %add3A_377 = arith.addi %select_n3A, %add3A_376 : i32
          %jit3A_378 = arith.constant 4 : i32
          %eq3A_379 = arith.constant 0 : i32
          %eq3A_380 = arith.cmpi eq, %jit3A_378, %eq3A_379 : i32
          %jit3A_381 = arith.constant 1 : i32
          %select_n3A_382 = arith.select %eq3A_380, %jit3A_381, %jit3A_378 : i32
          %rem3A_383 = arith.remsi %add3A_377, %select_n3A_382 : i32
          %ne3A_384 = arith.constant 0 : i32
          %ne3A_385 = arith.cmpi ne, %rem3A_383, %ne3A_384 : i32
          %lt3A_386 = arith.constant 0 : i32
          %lt3A_387 = arith.cmpi slt, %rem3A_383, %lt3A_386 : i32
          %lt3A_388 = arith.constant 0 : i32
          %lt3A_389 = arith.cmpi slt, %select_n3A_382, %lt3A_388 : i32
          %ne3A_390 = arith.xori %lt3A_387, %lt3A_389 : i1
          %and3A_391 = arith.andi %ne3A_390, %ne3A_385 : i1
          %add3A_392 = arith.addi %rem3A_383, %select_n3A_382 : i32
          %select_n3A_393 = arith.select %and3A_391, %add3A_392, %rem3A_383 : i32
          %add3A_394 = arith.addi %mul3A_30, %add3A_375 : i32
          %mul3A_395 = arith.constant 512 : i32
          %mul3A_396 = arith.muli %add3A_394, %mul3A_395 : i32
          %dma_start3A_397 = arith.constant 0 : i32
          %dma_start3A_398 = tpu.memref_slice %arg11[%select_n3A_393, %dma_start3A_397] : memref<4x512xi32, #tpu.memory_space<vmem>> -> memref<1x512xi32, #tpu.memory_space<vmem>>
          %dma_start3A_399 = tpu.memref_squeeze %dma_start3A_398 : memref<1x512xi32, #tpu.memory_space<vmem>> -> memref<512xi32, #tpu.memory_space<vmem>>
          %dma_start3A_400 = tpu.memref_slice %arg4[%mul3A_396] : memref<802816xi32, #tpu.memory_space<hbm>> -> memref<512xi32, #tpu.memory_space<hbm>>
          %dma_start3A_401 = arith.constant 0 : i32
          %dma_start3A_402 = tpu.memref_slice %arg11[%select_n3A_393, %dma_start3A_401] : memref<4x512xi32, #tpu.memory_space<vmem>> -> memref<1x512xi32, #tpu.memory_space<vmem>>
          %dma_start3A_403 = tpu.memref_squeeze %dma_start3A_402 : memref<1x512xi32, #tpu.memory_space<vmem>> -> memref<512xi32, #tpu.memory_space<vmem>>
          %dma_start3A_404 = tpu.memref_slice %arg4[%mul3A_396] : memref<802816xi32, #tpu.memory_space<hbm>> -> memref<512xi32, #tpu.memory_space<hbm>>
          tpu.enqueue_dma source(%dma_start3A_404 : memref<512xi32, #tpu.memory_space<hbm>>) target(%dma_start3A_403 : memref<512xi32, #tpu.memory_space<vmem>>) target_semaphore(%arg17 : memref<!tpu.dma_semaphore, #tpu.memory_space<semaphore_mem>>)
          %add3A_405 = arith.constant 0 : i32
          %add3A_406 = arith.addi %mul3A_396, %add3A_405 : i32
          %dma_start3A_407 = arith.constant 0 : i32
          %dma_start3A_408 = arith.constant 0 : i32
          %dma_start3A_409 = tpu.memref_slice %arg12[%select_n3A_393, %dma_start3A_407, %dma_start3A_408] : memref<4x4x128xi32, #tpu.memory_space<vmem>> -> memref<1x1x128xi32, #tpu.memory_space<vmem>>
          %dma_start3A_410 = tpu.memref_squeeze %dma_start3A_409 : memref<1x1x128xi32, #tpu.memory_space<vmem>> -> memref<128xi32, #tpu.memory_space<vmem>>
          %dma_start3A_411 = tpu.memref_slice %arg5[%add3A_406] : memref<802816xi32, #tpu.memory_space<hbm>> -> memref<128xi32, #tpu.memory_space<hbm>>
          %dma_start3A_412 = arith.constant 0 : i32
          %dma_start3A_413 = tpu.memref_slice %arg12[%select_n3A_393, %dma_start3A_407, %dma_start3A_412] : memref<4x4x128xi32, #tpu.memory_space<vmem>> -> memref<1x1x128xi32, #tpu.memory_space<vmem>>
          %dma_start3A_414 = tpu.memref_squeeze %dma_start3A_413 : memref<1x1x128xi32, #tpu.memory_space<vmem>> -> memref<128xi32, #tpu.memory_space<vmem>>
          %dma_start3A_415 = tpu.memref_slice %arg5[%add3A_406] : memref<802816xi32, #tpu.memory_space<hbm>> -> memref<128xi32, #tpu.memory_space<hbm>>
          tpu.enqueue_dma source(%dma_start3A_415 : memref<128xi32, #tpu.memory_space<hbm>>) target(%dma_start3A_414 : memref<128xi32, #tpu.memory_space<vmem>>) target_semaphore(%arg17 : memref<!tpu.dma_semaphore, #tpu.memory_space<semaphore_mem>>)
          %add3A_416 = arith.constant 128 : i32
          %add3A_417 = arith.addi %mul3A_396, %add3A_416 : i32
          %dma_start3A_418 = arith.constant 1 : i32
          %dma_start3A_419 = arith.constant 0 : i32
          %dma_start3A_420 = tpu.memref_slice %arg12[%select_n3A_393, %dma_start3A_418, %dma_start3A_419] : memref<4x4x128xi32, #tpu.memory_space<vmem>> -> memref<1x1x128xi32, #tpu.memory_space<vmem>>
          %dma_start3A_421 = tpu.memref_squeeze %dma_start3A_420 : memref<1x1x128xi32, #tpu.memory_space<vmem>> -> memref<128xi32, #tpu.memory_space<vmem>>
          %dma_start3A_422 = tpu.memref_slice %arg5[%add3A_417] : memref<802816xi32, #tpu.memory_space<hbm>> -> memref<128xi32, #tpu.memory_space<hbm>>
          %dma_start3A_423 = arith.constant 0 : i32
          %dma_start3A_424 = tpu.memref_slice %arg12[%select_n3A_393, %dma_start3A_418, %dma_start3A_423] : memref<4x4x128xi32, #tpu.memory_space<vmem>> -> memref<1x1x128xi32, #tpu.memory_space<vmem>>
          %dma_start3A_425 = tpu.memref_squeeze %dma_start3A_424 : memref<1x1x128xi32, #tpu.memory_space<vmem>> -> memref<128xi32, #tpu.memory_space<vmem>>
          %dma_start3A_426 = tpu.memref_slice %arg5[%add3A_417] : memref<802816xi32, #tpu.memory_space<hbm>> -> memref<128xi32, #tpu.memory_space<hbm>>
          tpu.enqueue_dma source(%dma_start3A_426 : memref<128xi32, #tpu.memory_space<hbm>>) target(%dma_start3A_425 : memref<128xi32, #tpu.memory_space<vmem>>) target_semaphore(%arg17 : memref<!tpu.dma_semaphore, #tpu.memory_space<semaphore_mem>>)
          %add3A_427 = arith.constant 256 : i32
          %add3A_428 = arith.addi %mul3A_396, %add3A_427 : i32
          %dma_start3A_429 = arith.constant 2 : i32
          %dma_start3A_430 = arith.constant 0 : i32
          %dma_start3A_431 = tpu.memref_slice %arg12[%select_n3A_393, %dma_start3A_429, %dma_start3A_430] : memref<4x4x128xi32, #tpu.memory_space<vmem>> -> memref<1x1x128xi32, #tpu.memory_space<vmem>>
          %dma_start3A_432 = tpu.memref_squeeze %dma_start3A_431 : memref<1x1x128xi32, #tpu.memory_space<vmem>> -> memref<128xi32, #tpu.memory_space<vmem>>
          %dma_start3A_433 = tpu.memref_slice %arg5[%add3A_428] : memref<802816xi32, #tpu.memory_space<hbm>> -> memref<128xi32, #tpu.memory_space<hbm>>
          %dma_start3A_434 = arith.constant 0 : i32
          %dma_start3A_435 = tpu.memref_slice %arg12[%select_n3A_393, %dma_start3A_429, %dma_start3A_434] : memref<4x4x128xi32, #tpu.memory_space<vmem>> -> memref<1x1x128xi32, #tpu.memory_space<vmem>>
          %dma_start3A_436 = tpu.memref_squeeze %dma_start3A_435 : memref<1x1x128xi32, #tpu.memory_space<vmem>> -> memref<128xi32, #tpu.memory_space<vmem>>
          %dma_start3A_437 = tpu.memref_slice %arg5[%add3A_428] : memref<802816xi32, #tpu.memory_space<hbm>> -> memref<128xi32, #tpu.memory_space<hbm>>
          tpu.enqueue_dma source(%dma_start3A_437 : memref<128xi32, #tpu.memory_space<hbm>>) target(%dma_start3A_436 : memref<128xi32, #tpu.memory_space<vmem>>) target_semaphore(%arg17 : memref<!tpu.dma_semaphore, #tpu.memory_space<semaphore_mem>>)
          %add3A_438 = arith.constant 384 : i32
          %add3A_439 = arith.addi %mul3A_396, %add3A_438 : i32
          %dma_start3A_440 = arith.constant 3 : i32
          %dma_start3A_441 = arith.constant 0 : i32
          %dma_start3A_442 = tpu.memref_slice %arg12[%select_n3A_393, %dma_start3A_440, %dma_start3A_441] : memref<4x4x128xi32, #tpu.memory_space<vmem>> -> memref<1x1x128xi32, #tpu.memory_space<vmem>>
          %dma_start3A_443 = tpu.memref_squeeze %dma_start3A_442 : memref<1x1x128xi32, #tpu.memory_space<vmem>> -> memref<128xi32, #tpu.memory_space<vmem>>
          %dma_start3A_444 = tpu.memref_slice %arg5[%add3A_439] : memref<802816xi32, #tpu.memory_space<hbm>> -> memref<128xi32, #tpu.memory_space<hbm>>
          %dma_start3A_445 = arith.constant 0 : i32
          %dma_start3A_446 = tpu.memref_slice %arg12[%select_n3A_393, %dma_start3A_440, %dma_start3A_445] : memref<4x4x128xi32, #tpu.memory_space<vmem>> -> memref<1x1x128xi32, #tpu.memory_space<vmem>>
          %dma_start3A_447 = tpu.memref_squeeze %dma_start3A_446 : memref<1x1x128xi32, #tpu.memory_space<vmem>> -> memref<128xi32, #tpu.memory_space<vmem>>
          %dma_start3A_448 = tpu.memref_slice %arg5[%add3A_439] : memref<802816xi32, #tpu.memory_space<hbm>> -> memref<128xi32, #tpu.memory_space<hbm>>
          tpu.enqueue_dma source(%dma_start3A_448 : memref<128xi32, #tpu.memory_space<hbm>>) target(%dma_start3A_447 : memref<128xi32, #tpu.memory_space<vmem>>) target_semaphore(%arg17 : memref<!tpu.dma_semaphore, #tpu.memory_space<semaphore_mem>>)
        } else {
        }
        %dma_wait3A_303 = arith.constant 0 : i32
        %dma_wait3A_304 = arith.constant 0 : i32
        %dma_wait3A_305 = arith.constant 0 : i32
        %dma_wait3A_306 = tpu.memref_slice %arg13[%dma_wait3A_303, %dma_wait3A_304, %dma_wait3A_305] : memref<6x128x32xf32, #tpu.memory_space<vmem>> -> memref<1x128x32xf32, #tpu.memory_space<vmem>>
        %dma_wait3A_307 = tpu.memref_squeeze %dma_wait3A_306 : memref<1x128x32xf32, #tpu.memory_space<vmem>> -> memref<128x32xf32, #tpu.memory_space<vmem>>
        %dma_wait3A_308 = arith.constant 0 : i32
        %dma_wait3A_309 = arith.constant 0 : i32
        %dma_wait3A_310 = tpu.memref_slice %arg2[%dma_wait3A_308, %dma_wait3A_309] : memref<50048x32xf32, #tpu.memory_space<hbm>> -> memref<128x32xf32, #tpu.memory_space<hbm>>
        %dma_wait3A_311 = arith.constant 0 : i32
        %dma_wait3A_312 = arith.constant 0 : i32
        %dma_wait3A_313 = tpu.memref_slice %arg13[%dma_wait3A_303, %dma_wait3A_311, %dma_wait3A_312] : memref<6x128x32xf32, #tpu.memory_space<vmem>> -> memref<1x128x32xf32, #tpu.memory_space<vmem>>
        %dma_wait3A_314 = tpu.memref_squeeze %dma_wait3A_313 : memref<1x128x32xf32, #tpu.memory_space<vmem>> -> memref<128x32xf32, #tpu.memory_space<vmem>>
        %dma_wait3A_315 = arith.constant 0 : i32
        %dma_wait3A_316 = arith.constant 0 : i32
        %dma_wait3A_317 = tpu.memref_slice %arg2[%dma_wait3A_315, %dma_wait3A_316] : memref<50048x32xf32, #tpu.memory_space<hbm>> -> memref<128x32xf32, #tpu.memory_space<hbm>>
        tpu.wait_dma2 semaphore(%arg15 : memref<!tpu.dma_semaphore, #tpu.memory_space<semaphore_mem>>) src(%dma_wait3A_317 : memref<128x32xf32, #tpu.memory_space<hbm>>) dst(%dma_wait3A_314 : memref<128x32xf32, #tpu.memory_space<vmem>>)
        %add3A_318 = arith.constant 4 : i32
        %add3A_319 = arith.addi %scan3A_251, %add3A_318 : i32
        %lt3A_320 = arith.constant 392 : i32
        %lt3A_321 = arith.cmpi slt, %add3A_319, %lt3A_320 : i32
        %ge3A = arith.constant 2 : i32
        %ge3A_322 = arith.cmpi sge, %scan3A_251, %ge3A : i32
        %and3A_323 = arith.andi %lt3A_321, %ge3A_322 : i1
        %convert_element_type3A_324 = arith.extui %and3A_323 : i1 to i32
        %cond3A_325 = arith.constant 0 : i32
        %cond3A_326 = arith.cmpi ne, %convert_element_type3A_324, %cond3A_325 : i32
        scf.if %cond3A_326 {
          %dma_wait3A_374 = arith.constant 0 : i32
          %dma_wait3A_375 = arith.constant 0 : i32
          %dma_wait3A_376 = arith.constant 0 : i32
          %dma_wait3A_377 = tpu.memref_slice %arg13[%dma_wait3A_374, %dma_wait3A_375, %dma_wait3A_376] : memref<6x128x32xf32, #tpu.memory_space<vmem>> -> memref<1x128x32xf32, #tpu.memory_space<vmem>>
          %dma_wait3A_378 = tpu.memref_squeeze %dma_wait3A_377 : memref<1x128x32xf32, #tpu.memory_space<vmem>> -> memref<128x32xf32, #tpu.memory_space<vmem>>
          %dma_wait3A_379 = arith.constant 0 : i32
          %dma_wait3A_380 = arith.constant 0 : i32
          %dma_wait3A_381 = tpu.memref_slice %arg2[%dma_wait3A_379, %dma_wait3A_380] : memref<50048x32xf32, #tpu.memory_space<hbm>> -> memref<128x32xf32, #tpu.memory_space<hbm>>
          %dma_wait3A_382 = arith.constant 0 : i32
          %dma_wait3A_383 = arith.constant 0 : i32
          %dma_wait3A_384 = tpu.memref_slice %arg13[%dma_wait3A_374, %dma_wait3A_382, %dma_wait3A_383] : memref<6x128x32xf32, #tpu.memory_space<vmem>> -> memref<1x128x32xf32, #tpu.memory_space<vmem>>
          %dma_wait3A_385 = tpu.memref_squeeze %dma_wait3A_384 : memref<1x128x32xf32, #tpu.memory_space<vmem>> -> memref<128x32xf32, #tpu.memory_space<vmem>>
          %dma_wait3A_386 = arith.constant 0 : i32
          %dma_wait3A_387 = arith.constant 0 : i32
          %dma_wait3A_388 = tpu.memref_slice %arg2[%dma_wait3A_386, %dma_wait3A_387] : memref<50048x32xf32, #tpu.memory_space<hbm>> -> memref<128x32xf32, #tpu.memory_space<hbm>>
          tpu.wait_dma2 semaphore(%arg16 : memref<!tpu.dma_semaphore, #tpu.memory_space<semaphore_mem>>) src(%dma_wait3A_388 : memref<128x32xf32, #tpu.memory_space<hbm>>) dst(%dma_wait3A_385 : memref<128x32xf32, #tpu.memory_space<vmem>>)
        } else {
        }
        %lt3A_327 = arith.constant 392 : i32
        %lt3A_328 = arith.cmpi slt, %add3A_319, %lt3A_327 : i32
        %convert_element_type3A_329 = arith.extui %lt3A_328 : i1 to i32
        %cond3A_330 = arith.constant 0 : i32
        %cond3A_331 = arith.cmpi ne, %convert_element_type3A_329, %cond3A_330 : i32
        scf.if %cond3A_331 {
          %jit3A_374 = arith.constant 4 : i32
          %eq3A_375 = arith.constant 0 : i32
          %eq3A_376 = arith.cmpi eq, %jit3A_374, %eq3A_375 : i32
          %jit3A_377 = arith.constant 1 : i32
          %select_n3A_378 = arith.select %eq3A_376, %jit3A_377, %jit3A_374 : i32
          %rem3A_379 = arith.remsi %add3A_319, %select_n3A_378 : i32
          %ne3A_380 = arith.constant 0 : i32
          %ne3A_381 = arith.cmpi ne, %rem3A_379, %ne3A_380 : i32
          %lt3A_382 = arith.constant 0 : i32
          %lt3A_383 = arith.cmpi slt, %rem3A_379, %lt3A_382 : i32
          %lt3A_384 = arith.constant 0 : i32
          %lt3A_385 = arith.cmpi slt, %select_n3A_378, %lt3A_384 : i32
          %ne3A_386 = arith.xori %lt3A_383, %lt3A_385 : i1
          %and3A_387 = arith.andi %ne3A_386, %ne3A_381 : i1
          %add3A_388 = arith.addi %rem3A_379, %select_n3A_378 : i32
          %select_n3A_389 = arith.select %and3A_387, %add3A_388, %rem3A_379 : i32
          %jit3A_390 = arith.constant 4 : i32
          %div3A_391 = arith.divsi %add3A_319, %jit3A_390 : i32
          %sign3A_392 = arith.constant 0 : i32
          %sign3A_393 = arith.cmpi sgt, %add3A_319, %sign3A_392 : i32
          %sign3A_394 = arith.extui %sign3A_393 : i1 to i32
          %sign3A_395 = arith.constant 0 : i32
          %sign3A_396 = arith.cmpi slt, %add3A_319, %sign3A_395 : i32
          %sign3A_397 = arith.extui %sign3A_396 : i1 to i32
          %sign3A_398 = arith.subi %sign3A_394, %sign3A_397 : i32
          %sign3A_399 = arith.constant 0 : i32
          %sign3A_400 = arith.cmpi sgt, %jit3A_390, %sign3A_399 : i32
          %sign3A_401 = arith.extui %sign3A_400 : i1 to i32
          %sign3A_402 = arith.constant 0 : i32
          %sign3A_403 = arith.cmpi slt, %jit3A_390, %sign3A_402 : i32
          %sign3A_404 = arith.extui %sign3A_403 : i1 to i32
          %sign3A_405 = arith.subi %sign3A_401, %sign3A_404 : i32
          %ne3A_406 = arith.cmpi ne, %sign3A_398, %sign3A_405 : i32
          %rem3A_407 = arith.remsi %add3A_319, %jit3A_390 : i32
          %ne3A_408 = arith.constant 0 : i32
          %ne3A_409 = arith.cmpi ne, %rem3A_407, %ne3A_408 : i32
          %and3A_410 = arith.andi %ne3A_406, %ne3A_409 : i1
          %sub3A_411 = arith.constant 1 : i32
          %sub3A_412 = arith.subi %div3A_391, %sub3A_411 : i32
          %select_n3A_413 = arith.select %and3A_410, %sub3A_412, %div3A_391 : i32
          %jit3A_414 = arith.constant 4 : i32
          %eq3A_415 = arith.constant 0 : i32
          %eq3A_416 = arith.cmpi eq, %jit3A_414, %eq3A_415 : i32
          %jit3A_417 = arith.constant 1 : i32
          %select_n3A_418 = arith.select %eq3A_416, %jit3A_417, %jit3A_414 : i32
          %rem3A_419 = arith.remsi %select_n3A_413, %select_n3A_418 : i32
          %ne3A_420 = arith.constant 0 : i32
          %ne3A_421 = arith.cmpi ne, %rem3A_419, %ne3A_420 : i32
          %lt3A_422 = arith.constant 0 : i32
          %lt3A_423 = arith.cmpi slt, %rem3A_419, %lt3A_422 : i32
          %lt3A_424 = arith.constant 0 : i32
          %lt3A_425 = arith.cmpi slt, %select_n3A_418, %lt3A_424 : i32
          %ne3A_426 = arith.xori %lt3A_423, %lt3A_425 : i1
          %and3A_427 = arith.andi %ne3A_426, %ne3A_421 : i1
          %add3A_428 = arith.addi %rem3A_419, %select_n3A_418 : i32
          %select_n3A_429 = arith.select %and3A_427, %add3A_428, %rem3A_419 : i32
          %mul3A_430 = arith.constant 128 : i32
          %mul3A_431 = arith.muli %select_n3A_389, %mul3A_430 : i32
          %jit3A_432 = arith.constant 6 : i32
          %eq3A_433 = arith.constant 0 : i32
          %eq3A_434 = arith.cmpi eq, %jit3A_432, %eq3A_433 : i32
          %jit3A_435 = arith.constant 1 : i32
          %select_n3A_436 = arith.select %eq3A_434, %jit3A_435, %jit3A_432 : i32
          %rem3A_437 = arith.remsi %add3A_319, %select_n3A_436 : i32
          %ne3A_438 = arith.constant 0 : i32
          %ne3A_439 = arith.cmpi ne, %rem3A_437, %ne3A_438 : i32
          %lt3A_440 = arith.constant 0 : i32
          %lt3A_441 = arith.cmpi slt, %rem3A_437, %lt3A_440 : i32
          %lt3A_442 = arith.constant 0 : i32
          %lt3A_443 = arith.cmpi slt, %select_n3A_436, %lt3A_442 : i32
          %ne3A_444 = arith.xori %lt3A_441, %lt3A_443 : i1
          %and3A_445 = arith.andi %ne3A_444, %ne3A_439 : i1
          %add3A_446 = arith.addi %rem3A_437, %select_n3A_436 : i32
          %select_n3A_447 = arith.select %and3A_445, %add3A_446, %rem3A_437 : i32
          %dma_start3A_448 = arith.constant 0 : i32
          %dma_start3A_449 = arith.constant 0 : i32
          %dma_start3A_450 = tpu.memref_slice %arg13[%select_n3A_447, %dma_start3A_448, %dma_start3A_449] : memref<6x128x32xf32, #tpu.memory_space<vmem>> -> memref<1x128x32xf32, #tpu.memory_space<vmem>>
          %dma_start3A_451 = tpu.memref_squeeze %dma_start3A_450 : memref<1x128x32xf32, #tpu.memory_space<vmem>> -> memref<128x32xf32, #tpu.memory_space<vmem>>
          %dma_start3A_452 = tpu.memref_slice %arg11[%select_n3A_429, %mul3A_431] : memref<4x512xi32, #tpu.memory_space<vmem>> -> memref<1x128xi32, #tpu.memory_space<vmem>>
          %dma_start3A_453 = tpu.memref_squeeze %dma_start3A_452 : memref<1x128xi32, #tpu.memory_space<vmem>> -> memref<128xi32, #tpu.memory_space<vmem>>
          %dma_start3A_454 = arith.constant 0 : i32
          %dma_start3A_455 = arith.constant 0 : i32
          %dma_start3A_456 = tpu.memref_slice %arg2[%dma_start3A_454, %dma_start3A_455] : memref<50048x32xf32, #tpu.memory_space<hbm>> -> memref<50048x32xf32, #tpu.memory_space<hbm>>
          tpu.enqueue_indirect_dma source(%dma_start3A_456 : memref<50048x32xf32, #tpu.memory_space<hbm>>) target(%dma_start3A_451 : memref<128x32xf32, #tpu.memory_space<vmem>>) offsets(%dma_start3A_453 : memref<128xi32, #tpu.memory_space<vmem>>) semaphore(%arg15 : memref<!tpu.dma_semaphore, #tpu.memory_space<semaphore_mem>>)
        } else {
        }
        %jit3A_332 = arith.constant 6 : i32
        %eq3A_333 = arith.constant 0 : i32
        %eq3A_334 = arith.cmpi eq, %jit3A_332, %eq3A_333 : i32
        %jit3A_335 = arith.constant 1 : i32
        %select_n3A_336 = arith.select %eq3A_334, %jit3A_335, %jit3A_332 : i32
        %rem3A_337 = arith.remsi %scan3A_251, %select_n3A_336 : i32
        %ne3A_338 = arith.constant 0 : i32
        %ne3A_339 = arith.cmpi ne, %rem3A_337, %ne3A_338 : i32
        %lt3A_340 = arith.constant 0 : i32
        %lt3A_341 = arith.cmpi slt, %rem3A_337, %lt3A_340 : i32
        %lt3A_342 = arith.constant 0 : i32
        %lt3A_343 = arith.cmpi slt, %select_n3A_336, %lt3A_342 : i32
        %ne3A_344 = arith.xori %lt3A_341, %lt3A_343 : i1
        %and3A_345 = arith.andi %ne3A_344, %ne3A_339 : i1
        %add3A_346 = arith.addi %rem3A_337, %select_n3A_336 : i32
        %select_n3A_347 = arith.select %and3A_345, %add3A_346, %rem3A_337 : i32
        %jit3A_348 = arith.constant 4 : i32
        %eq3A_349 = arith.constant 0 : i32
        %eq3A_350 = arith.cmpi eq, %jit3A_348, %eq3A_349 : i32
        %jit3A_351 = arith.constant 1 : i32
        %select_n3A_352 = arith.select %eq3A_350, %jit3A_351, %jit3A_348 : i32
        %rem3A_353 = arith.remsi %select_n3A, %select_n3A_352 : i32
        %ne3A_354 = arith.constant 0 : i32
        %ne3A_355 = arith.cmpi ne, %rem3A_353, %ne3A_354 : i32
        %lt3A_356 = arith.constant 0 : i32
        %lt3A_357 = arith.cmpi slt, %rem3A_353, %lt3A_356 : i32
        %lt3A_358 = arith.constant 0 : i32
        %lt3A_359 = arith.cmpi slt, %select_n3A_352, %lt3A_358 : i32
        %ne3A_360 = arith.xori %lt3A_357, %lt3A_359 : i1
        %and3A_361 = arith.andi %ne3A_360, %ne3A_355 : i1
        %add3A_362 = arith.addi %rem3A_353, %select_n3A_352 : i32
        %select_n3A_363 = arith.select %and3A_361, %add3A_362, %rem3A_353 : i32
        %dma_start3A_364 = arith.constant 0 : i32
        %dma_start3A_365 = arith.constant 0 : i32
        %dma_start3A_366 = tpu.memref_slice %arg13[%select_n3A_347, %dma_start3A_364, %dma_start3A_365] : memref<6x128x32xf32, #tpu.memory_space<vmem>> -> memref<1x128x32xf32, #tpu.memory_space<vmem>>
        %dma_start3A_367 = tpu.memref_squeeze %dma_start3A_366 : memref<1x128x32xf32, #tpu.memory_space<vmem>> -> memref<128x32xf32, #tpu.memory_space<vmem>>
        %dma_start3A_368 = arith.constant 0 : i32
        %dma_start3A_369 = tpu.memref_slice %arg12[%select_n3A_363, %select_n3A_282, %dma_start3A_368] : memref<4x4x128xi32, #tpu.memory_space<vmem>> -> memref<1x1x128xi32, #tpu.memory_space<vmem>>
        %dma_start3A_370 = tpu.memref_squeeze %dma_start3A_369 : memref<1x1x128xi32, #tpu.memory_space<vmem>> -> memref<128xi32, #tpu.memory_space<vmem>>
        %dma_start3A_371 = arith.constant 0 : i32
        %dma_start3A_372 = arith.constant 0 : i32
        %dma_start3A_373 = tpu.memref_slice %arg10[%dma_start3A_371, %dma_start3A_372] : memref<50176x32xf32, #tpu.memory_space<vmem_shared>> -> memref<50176x32xf32, #tpu.memory_space<vmem_shared>>
        tpu.enqueue_indirect_dma source(%dma_start3A_367 : memref<128x32xf32, #tpu.memory_space<vmem>>) target(%dma_start3A_373 : memref<50176x32xf32, #tpu.memory_space<vmem_shared>>) offsets(%dma_start3A_370 : memref<128xi32, #tpu.memory_space<vmem>>) semaphore(%arg16 : memref<!tpu.dma_semaphore, #tpu.memory_space<semaphore_mem>>) {add = true}
      }
      %scan3A_161 = arith.constant 392 : i32
      %dma_wait3A = arith.constant 0 : i32
      %dma_wait3A_162 = arith.constant 0 : i32
      %dma_wait3A_163 = arith.constant 0 : i32
      %dma_wait3A_164 = tpu.memref_slice %arg13[%dma_wait3A, %dma_wait3A_162, %dma_wait3A_163] : memref<6x128x32xf32, #tpu.memory_space<vmem>> -> memref<1x128x32xf32, #tpu.memory_space<vmem>>
      %dma_wait3A_165 = tpu.memref_squeeze %dma_wait3A_164 : memref<1x128x32xf32, #tpu.memory_space<vmem>> -> memref<128x32xf32, #tpu.memory_space<vmem>>
      %dma_wait3A_166 = arith.constant 0 : i32
      %dma_wait3A_167 = arith.constant 0 : i32
      %dma_wait3A_168 = tpu.memref_slice %arg2[%dma_wait3A_166, %dma_wait3A_167] : memref<50048x32xf32, #tpu.memory_space<hbm>> -> memref<128x32xf32, #tpu.memory_space<hbm>>
      %dma_wait3A_169 = arith.constant 0 : i32
      %dma_wait3A_170 = arith.constant 0 : i32
      %dma_wait3A_171 = tpu.memref_slice %arg13[%dma_wait3A, %dma_wait3A_169, %dma_wait3A_170] : memref<6x128x32xf32, #tpu.memory_space<vmem>> -> memref<1x128x32xf32, #tpu.memory_space<vmem>>
      %dma_wait3A_172 = tpu.memref_squeeze %dma_wait3A_171 : memref<1x128x32xf32, #tpu.memory_space<vmem>> -> memref<128x32xf32, #tpu.memory_space<vmem>>
      %dma_wait3A_173 = arith.constant 0 : i32
      %dma_wait3A_174 = arith.constant 0 : i32
      %dma_wait3A_175 = tpu.memref_slice %arg2[%dma_wait3A_173, %dma_wait3A_174] : memref<50048x32xf32, #tpu.memory_space<hbm>> -> memref<128x32xf32, #tpu.memory_space<hbm>>
      tpu.wait_dma2 semaphore(%arg16 : memref<!tpu.dma_semaphore, #tpu.memory_space<semaphore_mem>>) src(%dma_wait3A_175 : memref<128x32xf32, #tpu.memory_space<hbm>>) dst(%dma_wait3A_172 : memref<128x32xf32, #tpu.memory_space<vmem>>)
      %dma_wait3A_176 = arith.constant 0 : i32
      %dma_wait3A_177 = arith.constant 0 : i32
      %dma_wait3A_178 = arith.constant 0 : i32
      %dma_wait3A_179 = tpu.memref_slice %arg13[%dma_wait3A_176, %dma_wait3A_177, %dma_wait3A_178] : memref<6x128x32xf32, #tpu.memory_space<vmem>> -> memref<1x128x32xf32, #tpu.memory_space<vmem>>
      %dma_wait3A_180 = tpu.memref_squeeze %dma_wait3A_179 : memref<1x128x32xf32, #tpu.memory_space<vmem>> -> memref<128x32xf32, #tpu.memory_space<vmem>>
      %dma_wait3A_181 = arith.constant 0 : i32
      %dma_wait3A_182 = arith.constant 0 : i32
      %dma_wait3A_183 = tpu.memref_slice %arg2[%dma_wait3A_181, %dma_wait3A_182] : memref<50048x32xf32, #tpu.memory_space<hbm>> -> memref<128x32xf32, #tpu.memory_space<hbm>>
      %dma_wait3A_184 = arith.constant 0 : i32
      %dma_wait3A_185 = arith.constant 0 : i32
      %dma_wait3A_186 = tpu.memref_slice %arg13[%dma_wait3A_176, %dma_wait3A_184, %dma_wait3A_185] : memref<6x128x32xf32, #tpu.memory_space<vmem>> -> memref<1x128x32xf32, #tpu.memory_space<vmem>>
      %dma_wait3A_187 = tpu.memref_squeeze %dma_wait3A_186 : memref<1x128x32xf32, #tpu.memory_space<vmem>> -> memref<128x32xf32, #tpu.memory_space<vmem>>
      %dma_wait3A_188 = arith.constant 0 : i32
      %dma_wait3A_189 = arith.constant 0 : i32
      %dma_wait3A_190 = tpu.memref_slice %arg2[%dma_wait3A_188, %dma_wait3A_189] : memref<50048x32xf32, #tpu.memory_space<hbm>> -> memref<128x32xf32, #tpu.memory_space<hbm>>
      tpu.wait_dma2 semaphore(%arg16 : memref<!tpu.dma_semaphore, #tpu.memory_space<semaphore_mem>>) src(%dma_wait3A_190 : memref<128x32xf32, #tpu.memory_space<hbm>>) dst(%dma_wait3A_187 : memref<128x32xf32, #tpu.memory_space<vmem>>)
      %dma_wait3A_191 = arith.constant 0 : i32
      %dma_wait3A_192 = arith.constant 0 : i32
      %dma_wait3A_193 = arith.constant 0 : i32
      %dma_wait3A_194 = tpu.memref_slice %arg13[%dma_wait3A_191, %dma_wait3A_192, %dma_wait3A_193] : memref<6x128x32xf32, #tpu.memory_space<vmem>> -> memref<1x128x32xf32, #tpu.memory_space<vmem>>
      %dma_wait3A_195 = tpu.memref_squeeze %dma_wait3A_194 : memref<1x128x32xf32, #tpu.memory_space<vmem>> -> memref<128x32xf32, #tpu.memory_space<vmem>>
      %dma_wait3A_196 = arith.constant 0 : i32
      %dma_wait3A_197 = arith.constant 0 : i32
      %dma_wait3A_198 = tpu.memref_slice %arg2[%dma_wait3A_196, %dma_wait3A_197] : memref<50048x32xf32, #tpu.memory_space<hbm>> -> memref<128x32xf32, #tpu.memory_space<hbm>>
      %dma_wait3A_199 = arith.constant 0 : i32
      %dma_wait3A_200 = arith.constant 0 : i32
      %dma_wait3A_201 = tpu.memref_slice %arg13[%dma_wait3A_191, %dma_wait3A_199, %dma_wait3A_200] : memref<6x128x32xf32, #tpu.memory_space<vmem>> -> memref<1x128x32xf32, #tpu.memory_space<vmem>>
      %dma_wait3A_202 = tpu.memref_squeeze %dma_wait3A_201 : memref<1x128x32xf32, #tpu.memory_space<vmem>> -> memref<128x32xf32, #tpu.memory_space<vmem>>
      %dma_wait3A_203 = arith.constant 0 : i32
      %dma_wait3A_204 = arith.constant 0 : i32
      %dma_wait3A_205 = tpu.memref_slice %arg2[%dma_wait3A_203, %dma_wait3A_204] : memref<50048x32xf32, #tpu.memory_space<hbm>> -> memref<128x32xf32, #tpu.memory_space<hbm>>
      tpu.wait_dma2 semaphore(%arg16 : memref<!tpu.dma_semaphore, #tpu.memory_space<semaphore_mem>>) src(%dma_wait3A_205 : memref<128x32xf32, #tpu.memory_space<hbm>>) dst(%dma_wait3A_202 : memref<128x32xf32, #tpu.memory_space<vmem>>)
      %dma_wait3A_206 = arith.constant 0 : i32
      %dma_wait3A_207 = arith.constant 0 : i32
      %dma_wait3A_208 = arith.constant 0 : i32
      %dma_wait3A_209 = tpu.memref_slice %arg13[%dma_wait3A_206, %dma_wait3A_207, %dma_wait3A_208] : memref<6x128x32xf32, #tpu.memory_space<vmem>> -> memref<1x128x32xf32, #tpu.memory_space<vmem>>
      %dma_wait3A_210 = tpu.memref_squeeze %dma_wait3A_209 : memref<1x128x32xf32, #tpu.memory_space<vmem>> -> memref<128x32xf32, #tpu.memory_space<vmem>>
      %dma_wait3A_211 = arith.constant 0 : i32
      %dma_wait3A_212 = arith.constant 0 : i32
      %dma_wait3A_213 = tpu.memref_slice %arg2[%dma_wait3A_211, %dma_wait3A_212] : memref<50048x32xf32, #tpu.memory_space<hbm>> -> memref<128x32xf32, #tpu.memory_space<hbm>>
      %dma_wait3A_214 = arith.constant 0 : i32
      %dma_wait3A_215 = arith.constant 0 : i32
      %dma_wait3A_216 = tpu.memref_slice %arg13[%dma_wait3A_206, %dma_wait3A_214, %dma_wait3A_215] : memref<6x128x32xf32, #tpu.memory_space<vmem>> -> memref<1x128x32xf32, #tpu.memory_space<vmem>>
      %dma_wait3A_217 = tpu.memref_squeeze %dma_wait3A_216 : memref<1x128x32xf32, #tpu.memory_space<vmem>> -> memref<128x32xf32, #tpu.memory_space<vmem>>
      %dma_wait3A_218 = arith.constant 0 : i32
      %dma_wait3A_219 = arith.constant 0 : i32
      %dma_wait3A_220 = tpu.memref_slice %arg2[%dma_wait3A_218, %dma_wait3A_219] : memref<50048x32xf32, #tpu.memory_space<hbm>> -> memref<128x32xf32, #tpu.memory_space<hbm>>
      tpu.wait_dma2 semaphore(%arg16 : memref<!tpu.dma_semaphore, #tpu.memory_space<semaphore_mem>>) src(%dma_wait3A_220 : memref<128x32xf32, #tpu.memory_space<hbm>>) dst(%dma_wait3A_217 : memref<128x32xf32, #tpu.memory_space<vmem>>)
      %dma_wait3A_221 = arith.constant 0 : i32
      %dma_wait3A_222 = arith.constant 0 : i32
      %dma_wait3A_223 = arith.constant 0 : i32
      %dma_wait3A_224 = tpu.memref_slice %arg13[%dma_wait3A_221, %dma_wait3A_222, %dma_wait3A_223] : memref<6x128x32xf32, #tpu.memory_space<vmem>> -> memref<1x128x32xf32, #tpu.memory_space<vmem>>
      %dma_wait3A_225 = tpu.memref_squeeze %dma_wait3A_224 : memref<1x128x32xf32, #tpu.memory_space<vmem>> -> memref<128x32xf32, #tpu.memory_space<vmem>>
      %dma_wait3A_226 = arith.constant 0 : i32
      %dma_wait3A_227 = arith.constant 0 : i32
      %dma_wait3A_228 = tpu.memref_slice %arg2[%dma_wait3A_226, %dma_wait3A_227] : memref<50048x32xf32, #tpu.memory_space<hbm>> -> memref<128x32xf32, #tpu.memory_space<hbm>>
      %dma_wait3A_229 = arith.constant 0 : i32
      %dma_wait3A_230 = arith.constant 0 : i32
      %dma_wait3A_231 = tpu.memref_slice %arg13[%dma_wait3A_221, %dma_wait3A_229, %dma_wait3A_230] : memref<6x128x32xf32, #tpu.memory_space<vmem>> -> memref<1x128x32xf32, #tpu.memory_space<vmem>>
      %dma_wait3A_232 = tpu.memref_squeeze %dma_wait3A_231 : memref<1x128x32xf32, #tpu.memory_space<vmem>> -> memref<128x32xf32, #tpu.memory_space<vmem>>
      %dma_wait3A_233 = arith.constant 0 : i32
      %dma_wait3A_234 = arith.constant 0 : i32
      %dma_wait3A_235 = tpu.memref_slice %arg2[%dma_wait3A_233, %dma_wait3A_234] : memref<50048x32xf32, #tpu.memory_space<hbm>> -> memref<128x32xf32, #tpu.memory_space<hbm>>
      tpu.wait_dma2 semaphore(%arg16 : memref<!tpu.dma_semaphore, #tpu.memory_space<semaphore_mem>>) src(%dma_wait3A_235 : memref<128x32xf32, #tpu.memory_space<hbm>>) dst(%dma_wait3A_232 : memref<128x32xf32, #tpu.memory_space<vmem>>)
      %dma_wait3A_236 = arith.constant 0 : i32
      %dma_wait3A_237 = arith.constant 0 : i32
      %dma_wait3A_238 = arith.constant 0 : i32
      %dma_wait3A_239 = tpu.memref_slice %arg13[%dma_wait3A_236, %dma_wait3A_237, %dma_wait3A_238] : memref<6x128x32xf32, #tpu.memory_space<vmem>> -> memref<1x128x32xf32, #tpu.memory_space<vmem>>
      %dma_wait3A_240 = tpu.memref_squeeze %dma_wait3A_239 : memref<1x128x32xf32, #tpu.memory_space<vmem>> -> memref<128x32xf32, #tpu.memory_space<vmem>>
      %dma_wait3A_241 = arith.constant 0 : i32
      %dma_wait3A_242 = arith.constant 0 : i32
      %dma_wait3A_243 = tpu.memref_slice %arg2[%dma_wait3A_241, %dma_wait3A_242] : memref<50048x32xf32, #tpu.memory_space<hbm>> -> memref<128x32xf32, #tpu.memory_space<hbm>>
      %dma_wait3A_244 = arith.constant 0 : i32
      %dma_wait3A_245 = arith.constant 0 : i32
      %dma_wait3A_246 = tpu.memref_slice %arg13[%dma_wait3A_236, %dma_wait3A_244, %dma_wait3A_245] : memref<6x128x32xf32, #tpu.memory_space<vmem>> -> memref<1x128x32xf32, #tpu.memory_space<vmem>>
      %dma_wait3A_247 = tpu.memref_squeeze %dma_wait3A_246 : memref<1x128x32xf32, #tpu.memory_space<vmem>> -> memref<128x32xf32, #tpu.memory_space<vmem>>
      %dma_wait3A_248 = arith.constant 0 : i32
      %dma_wait3A_249 = arith.constant 0 : i32
      %dma_wait3A_250 = tpu.memref_slice %arg2[%dma_wait3A_248, %dma_wait3A_249] : memref<50048x32xf32, #tpu.memory_space<hbm>> -> memref<128x32xf32, #tpu.memory_space<hbm>>
      tpu.wait_dma2 semaphore(%arg16 : memref<!tpu.dma_semaphore, #tpu.memory_space<semaphore_mem>>) src(%dma_wait3A_250 : memref<128x32xf32, #tpu.memory_space<hbm>>) dst(%dma_wait3A_247 : memref<128x32xf32, #tpu.memory_space<vmem>>)
    } else {
    }
    %eq3A_14 = arith.constant 1 : i32
    %eq3A_15 = arith.cmpi eq, %arg0, %eq3A_14 : i32
    %convert_element_type3A_16 = arith.extui %eq3A_15 : i1 to i32
    %cond3A_17 = arith.constant 0 : i32
    %cond3A_18 = arith.cmpi ne, %convert_element_type3A_16, %cond3A_17 : i32
    scf.if %cond3A_18 {
      %mul3A = arith.constant 98 : i32
      %mul3A_30 = arith.muli %arg1, %mul3A : i32
      %mul3A_31 = arith.constant 512 : i32
      %mul3A_32 = arith.muli %mul3A_30, %mul3A_31 : i32
      %run_scoped3A = arith.constant 0 : i32
      "tpu.region"() ({
        %run_scoped3A_251 = tpu.sem_alloc : memref<!tpu.dma_semaphore, #tpu.memory_space<semaphore_mem>>
        %dma_start3A_252 = arith.constant 0 : i32
        %dma_start3A_253 = tpu.memref_slice %arg11[%run_scoped3A, %dma_start3A_252] : memref<4x512xi32, #tpu.memory_space<vmem>> -> memref<1x512xi32, #tpu.memory_space<vmem>>
        %dma_start3A_254 = tpu.memref_squeeze %dma_start3A_253 : memref<1x512xi32, #tpu.memory_space<vmem>> -> memref<512xi32, #tpu.memory_space<vmem>>
        %dma_start3A_255 = tpu.memref_slice %arg6[%mul3A_32] : memref<802816xi32, #tpu.memory_space<hbm>> -> memref<512xi32, #tpu.memory_space<hbm>>
        %dma_start3A_256 = arith.constant 0 : i32
        %dma_start3A_257 = tpu.memref_slice %arg11[%run_scoped3A, %dma_start3A_256] : memref<4x512xi32, #tpu.memory_space<vmem>> -> memref<1x512xi32, #tpu.memory_space<vmem>>
        %dma_start3A_258 = tpu.memref_squeeze %dma_start3A_257 : memref<1x512xi32, #tpu.memory_space<vmem>> -> memref<512xi32, #tpu.memory_space<vmem>>
        %dma_start3A_259 = tpu.memref_slice %arg6[%mul3A_32] : memref<802816xi32, #tpu.memory_space<hbm>> -> memref<512xi32, #tpu.memory_space<hbm>>
        tpu.enqueue_dma source(%dma_start3A_259 : memref<512xi32, #tpu.memory_space<hbm>>) target(%dma_start3A_258 : memref<512xi32, #tpu.memory_space<vmem>>) target_semaphore(%run_scoped3A_251 : memref<!tpu.dma_semaphore, #tpu.memory_space<semaphore_mem>>)
        %dma_wait3A_260 = arith.constant 0 : i32
        %dma_wait3A_261 = tpu.memref_slice %arg11[%run_scoped3A, %dma_wait3A_260] : memref<4x512xi32, #tpu.memory_space<vmem>> -> memref<1x512xi32, #tpu.memory_space<vmem>>
        %dma_wait3A_262 = tpu.memref_squeeze %dma_wait3A_261 : memref<1x512xi32, #tpu.memory_space<vmem>> -> memref<512xi32, #tpu.memory_space<vmem>>
        %dma_wait3A_263 = tpu.memref_slice %arg6[%mul3A_32] : memref<802816xi32, #tpu.memory_space<hbm>> -> memref<512xi32, #tpu.memory_space<hbm>>
        %dma_wait3A_264 = arith.constant 0 : i32
        %dma_wait3A_265 = tpu.memref_slice %arg11[%run_scoped3A, %dma_wait3A_264] : memref<4x512xi32, #tpu.memory_space<vmem>> -> memref<1x512xi32, #tpu.memory_space<vmem>>
        %dma_wait3A_266 = tpu.memref_squeeze %dma_wait3A_265 : memref<1x512xi32, #tpu.memory_space<vmem>> -> memref<512xi32, #tpu.memory_space<vmem>>
        %dma_wait3A_267 = tpu.memref_slice %arg6[%mul3A_32] : memref<802816xi32, #tpu.memory_space<hbm>> -> memref<512xi32, #tpu.memory_space<hbm>>
        tpu.wait_dma2 semaphore(%run_scoped3A_251 : memref<!tpu.dma_semaphore, #tpu.memory_space<semaphore_mem>>) src(%dma_wait3A_267 : memref<512xi32, #tpu.memory_space<hbm>>) dst(%dma_wait3A_266 : memref<512xi32, #tpu.memory_space<vmem>>)
        tpu.yield
      }) : () -> ()
      %add3A = arith.constant 0 : i32
      %add3A_33 = arith.addi %mul3A_32, %add3A : i32
      %run_scoped3A_34 = arith.constant 0 : i32
      %run_scoped3A_35 = arith.constant 0 : i32
      "tpu.region"() ({
        %run_scoped3A_251 = tpu.sem_alloc : memref<!tpu.dma_semaphore, #tpu.memory_space<semaphore_mem>>
        %dma_start3A_252 = arith.constant 0 : i32
        %dma_start3A_253 = tpu.memref_slice %arg12[%run_scoped3A_34, %run_scoped3A_35, %dma_start3A_252] : memref<4x4x128xi32, #tpu.memory_space<vmem>> -> memref<1x1x128xi32, #tpu.memory_space<vmem>>
        %dma_start3A_254 = tpu.memref_squeeze %dma_start3A_253 : memref<1x1x128xi32, #tpu.memory_space<vmem>> -> memref<128xi32, #tpu.memory_space<vmem>>
        %dma_start3A_255 = tpu.memref_slice %arg7[%add3A_33] : memref<802816xi32, #tpu.memory_space<hbm>> -> memref<128xi32, #tpu.memory_space<hbm>>
        %dma_start3A_256 = arith.constant 0 : i32
        %dma_start3A_257 = tpu.memref_slice %arg12[%run_scoped3A_34, %run_scoped3A_35, %dma_start3A_256] : memref<4x4x128xi32, #tpu.memory_space<vmem>> -> memref<1x1x128xi32, #tpu.memory_space<vmem>>
        %dma_start3A_258 = tpu.memref_squeeze %dma_start3A_257 : memref<1x1x128xi32, #tpu.memory_space<vmem>> -> memref<128xi32, #tpu.memory_space<vmem>>
        %dma_start3A_259 = tpu.memref_slice %arg7[%add3A_33] : memref<802816xi32, #tpu.memory_space<hbm>> -> memref<128xi32, #tpu.memory_space<hbm>>
        tpu.enqueue_dma source(%dma_start3A_259 : memref<128xi32, #tpu.memory_space<hbm>>) target(%dma_start3A_258 : memref<128xi32, #tpu.memory_space<vmem>>) target_semaphore(%run_scoped3A_251 : memref<!tpu.dma_semaphore, #tpu.memory_space<semaphore_mem>>)
        %dma_wait3A_260 = arith.constant 0 : i32
        %dma_wait3A_261 = tpu.memref_slice %arg12[%run_scoped3A_34, %run_scoped3A_35, %dma_wait3A_260] : memref<4x4x128xi32, #tpu.memory_space<vmem>> -> memref<1x1x128xi32, #tpu.memory_space<vmem>>
        %dma_wait3A_262 = tpu.memref_squeeze %dma_wait3A_261 : memref<1x1x128xi32, #tpu.memory_space<vmem>> -> memref<128xi32, #tpu.memory_space<vmem>>
        %dma_wait3A_263 = tpu.memref_slice %arg7[%add3A_33] : memref<802816xi32, #tpu.memory_space<hbm>> -> memref<128xi32, #tpu.memory_space<hbm>>
        %dma_wait3A_264 = arith.constant 0 : i32
        %dma_wait3A_265 = tpu.memref_slice %arg12[%run_scoped3A_34, %run_scoped3A_35, %dma_wait3A_264] : memref<4x4x128xi32, #tpu.memory_space<vmem>> -> memref<1x1x128xi32, #tpu.memory_space<vmem>>
        %dma_wait3A_266 = tpu.memref_squeeze %dma_wait3A_265 : memref<1x1x128xi32, #tpu.memory_space<vmem>> -> memref<128xi32, #tpu.memory_space<vmem>>
        %dma_wait3A_267 = tpu.memref_slice %arg7[%add3A_33] : memref<802816xi32, #tpu.memory_space<hbm>> -> memref<128xi32, #tpu.memory_space<hbm>>
        tpu.wait_dma2 semaphore(%run_scoped3A_251 : memref<!tpu.dma_semaphore, #tpu.memory_space<semaphore_mem>>) src(%dma_wait3A_267 : memref<128xi32, #tpu.memory_space<hbm>>) dst(%dma_wait3A_266 : memref<128xi32, #tpu.memory_space<vmem>>)
        tpu.yield
      }) : () -> ()
      %add3A_36 = arith.constant 128 : i32
      %add3A_37 = arith.addi %mul3A_32, %add3A_36 : i32
      %run_scoped3A_38 = arith.constant 0 : i32
      %run_scoped3A_39 = arith.constant 1 : i32
      "tpu.region"() ({
        %run_scoped3A_251 = tpu.sem_alloc : memref<!tpu.dma_semaphore, #tpu.memory_space<semaphore_mem>>
        %dma_start3A_252 = arith.constant 0 : i32
        %dma_start3A_253 = tpu.memref_slice %arg12[%run_scoped3A_38, %run_scoped3A_39, %dma_start3A_252] : memref<4x4x128xi32, #tpu.memory_space<vmem>> -> memref<1x1x128xi32, #tpu.memory_space<vmem>>
        %dma_start3A_254 = tpu.memref_squeeze %dma_start3A_253 : memref<1x1x128xi32, #tpu.memory_space<vmem>> -> memref<128xi32, #tpu.memory_space<vmem>>
        %dma_start3A_255 = tpu.memref_slice %arg7[%add3A_37] : memref<802816xi32, #tpu.memory_space<hbm>> -> memref<128xi32, #tpu.memory_space<hbm>>
        %dma_start3A_256 = arith.constant 0 : i32
        %dma_start3A_257 = tpu.memref_slice %arg12[%run_scoped3A_38, %run_scoped3A_39, %dma_start3A_256] : memref<4x4x128xi32, #tpu.memory_space<vmem>> -> memref<1x1x128xi32, #tpu.memory_space<vmem>>
        %dma_start3A_258 = tpu.memref_squeeze %dma_start3A_257 : memref<1x1x128xi32, #tpu.memory_space<vmem>> -> memref<128xi32, #tpu.memory_space<vmem>>
        %dma_start3A_259 = tpu.memref_slice %arg7[%add3A_37] : memref<802816xi32, #tpu.memory_space<hbm>> -> memref<128xi32, #tpu.memory_space<hbm>>
        tpu.enqueue_dma source(%dma_start3A_259 : memref<128xi32, #tpu.memory_space<hbm>>) target(%dma_start3A_258 : memref<128xi32, #tpu.memory_space<vmem>>) target_semaphore(%run_scoped3A_251 : memref<!tpu.dma_semaphore, #tpu.memory_space<semaphore_mem>>)
        %dma_wait3A_260 = arith.constant 0 : i32
        %dma_wait3A_261 = tpu.memref_slice %arg12[%run_scoped3A_38, %run_scoped3A_39, %dma_wait3A_260] : memref<4x4x128xi32, #tpu.memory_space<vmem>> -> memref<1x1x128xi32, #tpu.memory_space<vmem>>
        %dma_wait3A_262 = tpu.memref_squeeze %dma_wait3A_261 : memref<1x1x128xi32, #tpu.memory_space<vmem>> -> memref<128xi32, #tpu.memory_space<vmem>>
        %dma_wait3A_263 = tpu.memref_slice %arg7[%add3A_37] : memref<802816xi32, #tpu.memory_space<hbm>> -> memref<128xi32, #tpu.memory_space<hbm>>
        %dma_wait3A_264 = arith.constant 0 : i32
        %dma_wait3A_265 = tpu.memref_slice %arg12[%run_scoped3A_38, %run_scoped3A_39, %dma_wait3A_264] : memref<4x4x128xi32, #tpu.memory_space<vmem>> -> memref<1x1x128xi32, #tpu.memory_space<vmem>>
        %dma_wait3A_266 = tpu.memref_squeeze %dma_wait3A_265 : memref<1x1x128xi32, #tpu.memory_space<vmem>> -> memref<128xi32, #tpu.memory_space<vmem>>
        %dma_wait3A_267 = tpu.memref_slice %arg7[%add3A_37] : memref<802816xi32, #tpu.memory_space<hbm>> -> memref<128xi32, #tpu.memory_space<hbm>>
        tpu.wait_dma2 semaphore(%run_scoped3A_251 : memref<!tpu.dma_semaphore, #tpu.memory_space<semaphore_mem>>) src(%dma_wait3A_267 : memref<128xi32, #tpu.memory_space<hbm>>) dst(%dma_wait3A_266 : memref<128xi32, #tpu.memory_space<vmem>>)
        tpu.yield
      }) : () -> ()
      %add3A_40 = arith.constant 256 : i32
      %add3A_41 = arith.addi %mul3A_32, %add3A_40 : i32
      %run_scoped3A_42 = arith.constant 0 : i32
      %run_scoped3A_43 = arith.constant 2 : i32
      "tpu.region"() ({
        %run_scoped3A_251 = tpu.sem_alloc : memref<!tpu.dma_semaphore, #tpu.memory_space<semaphore_mem>>
        %dma_start3A_252 = arith.constant 0 : i32
        %dma_start3A_253 = tpu.memref_slice %arg12[%run_scoped3A_42, %run_scoped3A_43, %dma_start3A_252] : memref<4x4x128xi32, #tpu.memory_space<vmem>> -> memref<1x1x128xi32, #tpu.memory_space<vmem>>
        %dma_start3A_254 = tpu.memref_squeeze %dma_start3A_253 : memref<1x1x128xi32, #tpu.memory_space<vmem>> -> memref<128xi32, #tpu.memory_space<vmem>>
        %dma_start3A_255 = tpu.memref_slice %arg7[%add3A_41] : memref<802816xi32, #tpu.memory_space<hbm>> -> memref<128xi32, #tpu.memory_space<hbm>>
        %dma_start3A_256 = arith.constant 0 : i32
        %dma_start3A_257 = tpu.memref_slice %arg12[%run_scoped3A_42, %run_scoped3A_43, %dma_start3A_256] : memref<4x4x128xi32, #tpu.memory_space<vmem>> -> memref<1x1x128xi32, #tpu.memory_space<vmem>>
        %dma_start3A_258 = tpu.memref_squeeze %dma_start3A_257 : memref<1x1x128xi32, #tpu.memory_space<vmem>> -> memref<128xi32, #tpu.memory_space<vmem>>
        %dma_start3A_259 = tpu.memref_slice %arg7[%add3A_41] : memref<802816xi32, #tpu.memory_space<hbm>> -> memref<128xi32, #tpu.memory_space<hbm>>
        tpu.enqueue_dma source(%dma_start3A_259 : memref<128xi32, #tpu.memory_space<hbm>>) target(%dma_start3A_258 : memref<128xi32, #tpu.memory_space<vmem>>) target_semaphore(%run_scoped3A_251 : memref<!tpu.dma_semaphore, #tpu.memory_space<semaphore_mem>>)
        %dma_wait3A_260 = arith.constant 0 : i32
        %dma_wait3A_261 = tpu.memref_slice %arg12[%run_scoped3A_42, %run_scoped3A_43, %dma_wait3A_260] : memref<4x4x128xi32, #tpu.memory_space<vmem>> -> memref<1x1x128xi32, #tpu.memory_space<vmem>>
        %dma_wait3A_262 = tpu.memref_squeeze %dma_wait3A_261 : memref<1x1x128xi32, #tpu.memory_space<vmem>> -> memref<128xi32, #tpu.memory_space<vmem>>
        %dma_wait3A_263 = tpu.memref_slice %arg7[%add3A_41] : memref<802816xi32, #tpu.memory_space<hbm>> -> memref<128xi32, #tpu.memory_space<hbm>>
        %dma_wait3A_264 = arith.constant 0 : i32
        %dma_wait3A_265 = tpu.memref_slice %arg12[%run_scoped3A_42, %run_scoped3A_43, %dma_wait3A_264] : memref<4x4x128xi32, #tpu.memory_space<vmem>> -> memref<1x1x128xi32, #tpu.memory_space<vmem>>
        %dma_wait3A_266 = tpu.memref_squeeze %dma_wait3A_265 : memref<1x1x128xi32, #tpu.memory_space<vmem>> -> memref<128xi32, #tpu.memory_space<vmem>>
        %dma_wait3A_267 = tpu.memref_slice %arg7[%add3A_41] : memref<802816xi32, #tpu.memory_space<hbm>> -> memref<128xi32, #tpu.memory_space<hbm>>
        tpu.wait_dma2 semaphore(%run_scoped3A_251 : memref<!tpu.dma_semaphore, #tpu.memory_space<semaphore_mem>>) src(%dma_wait3A_267 : memref<128xi32, #tpu.memory_space<hbm>>) dst(%dma_wait3A_266 : memref<128xi32, #tpu.memory_space<vmem>>)
        tpu.yield
      }) : () -> ()
      %add3A_44 = arith.constant 384 : i32
      %add3A_45 = arith.addi %mul3A_32, %add3A_44 : i32
      %run_scoped3A_46 = arith.constant 0 : i32
      %run_scoped3A_47 = arith.constant 3 : i32
      "tpu.region"() ({
        %run_scoped3A_251 = tpu.sem_alloc : memref<!tpu.dma_semaphore, #tpu.memory_space<semaphore_mem>>
        %dma_start3A_252 = arith.constant 0 : i32
        %dma_start3A_253 = tpu.memref_slice %arg12[%run_scoped3A_46, %run_scoped3A_47, %dma_start3A_252] : memref<4x4x128xi32, #tpu.memory_space<vmem>> -> memref<1x1x128xi32, #tpu.memory_space<vmem>>
        %dma_start3A_254 = tpu.memref_squeeze %dma_start3A_253 : memref<1x1x128xi32, #tpu.memory_space<vmem>> -> memref<128xi32, #tpu.memory_space<vmem>>
        %dma_start3A_255 = tpu.memref_slice %arg7[%add3A_45] : memref<802816xi32, #tpu.memory_space<hbm>> -> memref<128xi32, #tpu.memory_space<hbm>>
        %dma_start3A_256 = arith.constant 0 : i32
        %dma_start3A_257 = tpu.memref_slice %arg12[%run_scoped3A_46, %run_scoped3A_47, %dma_start3A_256] : memref<4x4x128xi32, #tpu.memory_space<vmem>> -> memref<1x1x128xi32, #tpu.memory_space<vmem>>
        %dma_start3A_258 = tpu.memref_squeeze %dma_start3A_257 : memref<1x1x128xi32, #tpu.memory_space<vmem>> -> memref<128xi32, #tpu.memory_space<vmem>>
        %dma_start3A_259 = tpu.memref_slice %arg7[%add3A_45] : memref<802816xi32, #tpu.memory_space<hbm>> -> memref<128xi32, #tpu.memory_space<hbm>>
        tpu.enqueue_dma source(%dma_start3A_259 : memref<128xi32, #tpu.memory_space<hbm>>) target(%dma_start3A_258 : memref<128xi32, #tpu.memory_space<vmem>>) target_semaphore(%run_scoped3A_251 : memref<!tpu.dma_semaphore, #tpu.memory_space<semaphore_mem>>)
        %dma_wait3A_260 = arith.constant 0 : i32
        %dma_wait3A_261 = tpu.memref_slice %arg12[%run_scoped3A_46, %run_scoped3A_47, %dma_wait3A_260] : memref<4x4x128xi32, #tpu.memory_space<vmem>> -> memref<1x1x128xi32, #tpu.memory_space<vmem>>
        %dma_wait3A_262 = tpu.memref_squeeze %dma_wait3A_261 : memref<1x1x128xi32, #tpu.memory_space<vmem>> -> memref<128xi32, #tpu.memory_space<vmem>>
        %dma_wait3A_263 = tpu.memref_slice %arg7[%add3A_45] : memref<802816xi32, #tpu.memory_space<hbm>> -> memref<128xi32, #tpu.memory_space<hbm>>
        %dma_wait3A_264 = arith.constant 0 : i32
        %dma_wait3A_265 = tpu.memref_slice %arg12[%run_scoped3A_46, %run_scoped3A_47, %dma_wait3A_264] : memref<4x4x128xi32, #tpu.memory_space<vmem>> -> memref<1x1x128xi32, #tpu.memory_space<vmem>>
        %dma_wait3A_266 = tpu.memref_squeeze %dma_wait3A_265 : memref<1x1x128xi32, #tpu.memory_space<vmem>> -> memref<128xi32, #tpu.memory_space<vmem>>
        %dma_wait3A_267 = tpu.memref_slice %arg7[%add3A_45] : memref<802816xi32, #tpu.memory_space<hbm>> -> memref<128xi32, #tpu.memory_space<hbm>>
        tpu.wait_dma2 semaphore(%run_scoped3A_251 : memref<!tpu.dma_semaphore, #tpu.memory_space<semaphore_mem>>) src(%dma_wait3A_267 : memref<128xi32, #tpu.memory_space<hbm>>) dst(%dma_wait3A_266 : memref<128xi32, #tpu.memory_space<vmem>>)
        tpu.yield
      }) : () -> ()
      %add3A_48 = arith.constant 1 : i32
      %add3A_49 = arith.addi %mul3A_30, %add3A_48 : i32
      %mul3A_50 = arith.constant 512 : i32
      %mul3A_51 = arith.muli %add3A_49, %mul3A_50 : i32
      %dma_start3A = arith.constant 1 : i32
      %dma_start3A_52 = arith.constant 0 : i32
      %dma_start3A_53 = tpu.memref_slice %arg11[%dma_start3A, %dma_start3A_52] : memref<4x512xi32, #tpu.memory_space<vmem>> -> memref<1x512xi32, #tpu.memory_space<vmem>>
      %dma_start3A_54 = tpu.memref_squeeze %dma_start3A_53 : memref<1x512xi32, #tpu.memory_space<vmem>> -> memref<512xi32, #tpu.memory_space<vmem>>
      %dma_start3A_55 = tpu.memref_slice %arg6[%mul3A_51] : memref<802816xi32, #tpu.memory_space<hbm>> -> memref<512xi32, #tpu.memory_space<hbm>>
      %dma_start3A_56 = arith.constant 0 : i32
      %dma_start3A_57 = tpu.memref_slice %arg11[%dma_start3A, %dma_start3A_56] : memref<4x512xi32, #tpu.memory_space<vmem>> -> memref<1x512xi32, #tpu.memory_space<vmem>>
      %dma_start3A_58 = tpu.memref_squeeze %dma_start3A_57 : memref<1x512xi32, #tpu.memory_space<vmem>> -> memref<512xi32, #tpu.memory_space<vmem>>
      %dma_start3A_59 = tpu.memref_slice %arg6[%mul3A_51] : memref<802816xi32, #tpu.memory_space<hbm>> -> memref<512xi32, #tpu.memory_space<hbm>>
      tpu.enqueue_dma source(%dma_start3A_59 : memref<512xi32, #tpu.memory_space<hbm>>) target(%dma_start3A_58 : memref<512xi32, #tpu.memory_space<vmem>>) target_semaphore(%arg17 : memref<!tpu.dma_semaphore, #tpu.memory_space<semaphore_mem>>)
      %add3A_60 = arith.constant 0 : i32
      %add3A_61 = arith.addi %mul3A_51, %add3A_60 : i32
      %dma_start3A_62 = arith.constant 1 : i32
      %dma_start3A_63 = arith.constant 0 : i32
      %dma_start3A_64 = arith.constant 0 : i32
      %dma_start3A_65 = tpu.memref_slice %arg12[%dma_start3A_62, %dma_start3A_63, %dma_start3A_64] : memref<4x4x128xi32, #tpu.memory_space<vmem>> -> memref<1x1x128xi32, #tpu.memory_space<vmem>>
      %dma_start3A_66 = tpu.memref_squeeze %dma_start3A_65 : memref<1x1x128xi32, #tpu.memory_space<vmem>> -> memref<128xi32, #tpu.memory_space<vmem>>
      %dma_start3A_67 = tpu.memref_slice %arg7[%add3A_61] : memref<802816xi32, #tpu.memory_space<hbm>> -> memref<128xi32, #tpu.memory_space<hbm>>
      %dma_start3A_68 = arith.constant 0 : i32
      %dma_start3A_69 = tpu.memref_slice %arg12[%dma_start3A_62, %dma_start3A_63, %dma_start3A_68] : memref<4x4x128xi32, #tpu.memory_space<vmem>> -> memref<1x1x128xi32, #tpu.memory_space<vmem>>
      %dma_start3A_70 = tpu.memref_squeeze %dma_start3A_69 : memref<1x1x128xi32, #tpu.memory_space<vmem>> -> memref<128xi32, #tpu.memory_space<vmem>>
      %dma_start3A_71 = tpu.memref_slice %arg7[%add3A_61] : memref<802816xi32, #tpu.memory_space<hbm>> -> memref<128xi32, #tpu.memory_space<hbm>>
      tpu.enqueue_dma source(%dma_start3A_71 : memref<128xi32, #tpu.memory_space<hbm>>) target(%dma_start3A_70 : memref<128xi32, #tpu.memory_space<vmem>>) target_semaphore(%arg17 : memref<!tpu.dma_semaphore, #tpu.memory_space<semaphore_mem>>)
      %add3A_72 = arith.constant 128 : i32
      %add3A_73 = arith.addi %mul3A_51, %add3A_72 : i32
      %dma_start3A_74 = arith.constant 1 : i32
      %dma_start3A_75 = arith.constant 1 : i32
      %dma_start3A_76 = arith.constant 0 : i32
      %dma_start3A_77 = tpu.memref_slice %arg12[%dma_start3A_74, %dma_start3A_75, %dma_start3A_76] : memref<4x4x128xi32, #tpu.memory_space<vmem>> -> memref<1x1x128xi32, #tpu.memory_space<vmem>>
      %dma_start3A_78 = tpu.memref_squeeze %dma_start3A_77 : memref<1x1x128xi32, #tpu.memory_space<vmem>> -> memref<128xi32, #tpu.memory_space<vmem>>
      %dma_start3A_79 = tpu.memref_slice %arg7[%add3A_73] : memref<802816xi32, #tpu.memory_space<hbm>> -> memref<128xi32, #tpu.memory_space<hbm>>
      %dma_start3A_80 = arith.constant 0 : i32
      %dma_start3A_81 = tpu.memref_slice %arg12[%dma_start3A_74, %dma_start3A_75, %dma_start3A_80] : memref<4x4x128xi32, #tpu.memory_space<vmem>> -> memref<1x1x128xi32, #tpu.memory_space<vmem>>
      %dma_start3A_82 = tpu.memref_squeeze %dma_start3A_81 : memref<1x1x128xi32, #tpu.memory_space<vmem>> -> memref<128xi32, #tpu.memory_space<vmem>>
      %dma_start3A_83 = tpu.memref_slice %arg7[%add3A_73] : memref<802816xi32, #tpu.memory_space<hbm>> -> memref<128xi32, #tpu.memory_space<hbm>>
      tpu.enqueue_dma source(%dma_start3A_83 : memref<128xi32, #tpu.memory_space<hbm>>) target(%dma_start3A_82 : memref<128xi32, #tpu.memory_space<vmem>>) target_semaphore(%arg17 : memref<!tpu.dma_semaphore, #tpu.memory_space<semaphore_mem>>)
      %add3A_84 = arith.constant 256 : i32
      %add3A_85 = arith.addi %mul3A_51, %add3A_84 : i32
      %dma_start3A_86 = arith.constant 1 : i32
      %dma_start3A_87 = arith.constant 2 : i32
      %dma_start3A_88 = arith.constant 0 : i32
      %dma_start3A_89 = tpu.memref_slice %arg12[%dma_start3A_86, %dma_start3A_87, %dma_start3A_88] : memref<4x4x128xi32, #tpu.memory_space<vmem>> -> memref<1x1x128xi32, #tpu.memory_space<vmem>>
      %dma_start3A_90 = tpu.memref_squeeze %dma_start3A_89 : memref<1x1x128xi32, #tpu.memory_space<vmem>> -> memref<128xi32, #tpu.memory_space<vmem>>
      %dma_start3A_91 = tpu.memref_slice %arg7[%add3A_85] : memref<802816xi32, #tpu.memory_space<hbm>> -> memref<128xi32, #tpu.memory_space<hbm>>
      %dma_start3A_92 = arith.constant 0 : i32
      %dma_start3A_93 = tpu.memref_slice %arg12[%dma_start3A_86, %dma_start3A_87, %dma_start3A_92] : memref<4x4x128xi32, #tpu.memory_space<vmem>> -> memref<1x1x128xi32, #tpu.memory_space<vmem>>
      %dma_start3A_94 = tpu.memref_squeeze %dma_start3A_93 : memref<1x1x128xi32, #tpu.memory_space<vmem>> -> memref<128xi32, #tpu.memory_space<vmem>>
      %dma_start3A_95 = tpu.memref_slice %arg7[%add3A_85] : memref<802816xi32, #tpu.memory_space<hbm>> -> memref<128xi32, #tpu.memory_space<hbm>>
      tpu.enqueue_dma source(%dma_start3A_95 : memref<128xi32, #tpu.memory_space<hbm>>) target(%dma_start3A_94 : memref<128xi32, #tpu.memory_space<vmem>>) target_semaphore(%arg17 : memref<!tpu.dma_semaphore, #tpu.memory_space<semaphore_mem>>)
      %add3A_96 = arith.constant 384 : i32
      %add3A_97 = arith.addi %mul3A_51, %add3A_96 : i32
      %dma_start3A_98 = arith.constant 1 : i32
      %dma_start3A_99 = arith.constant 3 : i32
      %dma_start3A_100 = arith.constant 0 : i32
      %dma_start3A_101 = tpu.memref_slice %arg12[%dma_start3A_98, %dma_start3A_99, %dma_start3A_100] : memref<4x4x128xi32, #tpu.memory_space<vmem>> -> memref<1x1x128xi32, #tpu.memory_space<vmem>>
      %dma_start3A_102 = tpu.memref_squeeze %dma_start3A_101 : memref<1x1x128xi32, #tpu.memory_space<vmem>> -> memref<128xi32, #tpu.memory_space<vmem>>
      %dma_start3A_103 = tpu.memref_slice %arg7[%add3A_97] : memref<802816xi32, #tpu.memory_space<hbm>> -> memref<128xi32, #tpu.memory_space<hbm>>
      %dma_start3A_104 = arith.constant 0 : i32
      %dma_start3A_105 = tpu.memref_slice %arg12[%dma_start3A_98, %dma_start3A_99, %dma_start3A_104] : memref<4x4x128xi32, #tpu.memory_space<vmem>> -> memref<1x1x128xi32, #tpu.memory_space<vmem>>
      %dma_start3A_106 = tpu.memref_squeeze %dma_start3A_105 : memref<1x1x128xi32, #tpu.memory_space<vmem>> -> memref<128xi32, #tpu.memory_space<vmem>>
      %dma_start3A_107 = tpu.memref_slice %arg7[%add3A_97] : memref<802816xi32, #tpu.memory_space<hbm>> -> memref<128xi32, #tpu.memory_space<hbm>>
      tpu.enqueue_dma source(%dma_start3A_107 : memref<128xi32, #tpu.memory_space<hbm>>) target(%dma_start3A_106 : memref<128xi32, #tpu.memory_space<vmem>>) target_semaphore(%arg17 : memref<!tpu.dma_semaphore, #tpu.memory_space<semaphore_mem>>)
      %dma_start3A_108 = arith.constant 0 : i32
      %dma_start3A_109 = arith.constant 0 : i32
      %dma_start3A_110 = arith.constant 0 : i32
      %dma_start3A_111 = arith.constant 0 : i32
      %dma_start3A_112 = tpu.memref_slice %arg13[%dma_start3A_109, %dma_start3A_110, %dma_start3A_111] : memref<6x128x32xf32, #tpu.memory_space<vmem>> -> memref<1x128x32xf32, #tpu.memory_space<vmem>>
      %dma_start3A_113 = tpu.memref_squeeze %dma_start3A_112 : memref<1x128x32xf32, #tpu.memory_space<vmem>> -> memref<128x32xf32, #tpu.memory_space<vmem>>
      %dma_start3A_114 = arith.constant 0 : i32
      %dma_start3A_115 = tpu.memref_slice %arg11[%dma_start3A_108, %dma_start3A_114] : memref<4x512xi32, #tpu.memory_space<vmem>> -> memref<1x128xi32, #tpu.memory_space<vmem>>
      %dma_start3A_116 = tpu.memref_squeeze %dma_start3A_115 : memref<1x128xi32, #tpu.memory_space<vmem>> -> memref<128xi32, #tpu.memory_space<vmem>>
      %dma_start3A_117 = arith.constant 0 : i32
      %dma_start3A_118 = arith.constant 0 : i32
      %dma_start3A_119 = tpu.memref_slice %arg3[%dma_start3A_117, %dma_start3A_118] : memref<50048x32xf32, #tpu.memory_space<hbm>> -> memref<50048x32xf32, #tpu.memory_space<hbm>>
      tpu.enqueue_indirect_dma source(%dma_start3A_119 : memref<50048x32xf32, #tpu.memory_space<hbm>>) target(%dma_start3A_113 : memref<128x32xf32, #tpu.memory_space<vmem>>) offsets(%dma_start3A_116 : memref<128xi32, #tpu.memory_space<vmem>>) semaphore(%arg15 : memref<!tpu.dma_semaphore, #tpu.memory_space<semaphore_mem>>)
      %dma_start3A_120 = arith.constant 0 : i32
      %dma_start3A_121 = arith.constant 1 : i32
      %dma_start3A_122 = arith.constant 0 : i32
      %dma_start3A_123 = arith.constant 0 : i32
      %dma_start3A_124 = tpu.memref_slice %arg13[%dma_start3A_121, %dma_start3A_122, %dma_start3A_123] : memref<6x128x32xf32, #tpu.memory_space<vmem>> -> memref<1x128x32xf32, #tpu.memory_space<vmem>>
      %dma_start3A_125 = tpu.memref_squeeze %dma_start3A_124 : memref<1x128x32xf32, #tpu.memory_space<vmem>> -> memref<128x32xf32, #tpu.memory_space<vmem>>
      %dma_start3A_126 = arith.constant 128 : i32
      %dma_start3A_127 = tpu.memref_slice %arg11[%dma_start3A_120, %dma_start3A_126] : memref<4x512xi32, #tpu.memory_space<vmem>> -> memref<1x128xi32, #tpu.memory_space<vmem>>
      %dma_start3A_128 = tpu.memref_squeeze %dma_start3A_127 : memref<1x128xi32, #tpu.memory_space<vmem>> -> memref<128xi32, #tpu.memory_space<vmem>>
      %dma_start3A_129 = arith.constant 0 : i32
      %dma_start3A_130 = arith.constant 0 : i32
      %dma_start3A_131 = tpu.memref_slice %arg3[%dma_start3A_129, %dma_start3A_130] : memref<50048x32xf32, #tpu.memory_space<hbm>> -> memref<50048x32xf32, #tpu.memory_space<hbm>>
      tpu.enqueue_indirect_dma source(%dma_start3A_131 : memref<50048x32xf32, #tpu.memory_space<hbm>>) target(%dma_start3A_125 : memref<128x32xf32, #tpu.memory_space<vmem>>) offsets(%dma_start3A_128 : memref<128xi32, #tpu.memory_space<vmem>>) semaphore(%arg15 : memref<!tpu.dma_semaphore, #tpu.memory_space<semaphore_mem>>)
      %dma_start3A_132 = arith.constant 0 : i32
      %dma_start3A_133 = arith.constant 2 : i32
      %dma_start3A_134 = arith.constant 0 : i32
      %dma_start3A_135 = arith.constant 0 : i32
      %dma_start3A_136 = tpu.memref_slice %arg13[%dma_start3A_133, %dma_start3A_134, %dma_start3A_135] : memref<6x128x32xf32, #tpu.memory_space<vmem>> -> memref<1x128x32xf32, #tpu.memory_space<vmem>>
      %dma_start3A_137 = tpu.memref_squeeze %dma_start3A_136 : memref<1x128x32xf32, #tpu.memory_space<vmem>> -> memref<128x32xf32, #tpu.memory_space<vmem>>
      %dma_start3A_138 = arith.constant 256 : i32
      %dma_start3A_139 = tpu.memref_slice %arg11[%dma_start3A_132, %dma_start3A_138] : memref<4x512xi32, #tpu.memory_space<vmem>> -> memref<1x128xi32, #tpu.memory_space<vmem>>
      %dma_start3A_140 = tpu.memref_squeeze %dma_start3A_139 : memref<1x128xi32, #tpu.memory_space<vmem>> -> memref<128xi32, #tpu.memory_space<vmem>>
      %dma_start3A_141 = arith.constant 0 : i32
      %dma_start3A_142 = arith.constant 0 : i32
      %dma_start3A_143 = tpu.memref_slice %arg3[%dma_start3A_141, %dma_start3A_142] : memref<50048x32xf32, #tpu.memory_space<hbm>> -> memref<50048x32xf32, #tpu.memory_space<hbm>>
      tpu.enqueue_indirect_dma source(%dma_start3A_143 : memref<50048x32xf32, #tpu.memory_space<hbm>>) target(%dma_start3A_137 : memref<128x32xf32, #tpu.memory_space<vmem>>) offsets(%dma_start3A_140 : memref<128xi32, #tpu.memory_space<vmem>>) semaphore(%arg15 : memref<!tpu.dma_semaphore, #tpu.memory_space<semaphore_mem>>)
      %dma_start3A_144 = arith.constant 0 : i32
      %dma_start3A_145 = arith.constant 3 : i32
      %dma_start3A_146 = arith.constant 0 : i32
      %dma_start3A_147 = arith.constant 0 : i32
      %dma_start3A_148 = tpu.memref_slice %arg13[%dma_start3A_145, %dma_start3A_146, %dma_start3A_147] : memref<6x128x32xf32, #tpu.memory_space<vmem>> -> memref<1x128x32xf32, #tpu.memory_space<vmem>>
      %dma_start3A_149 = tpu.memref_squeeze %dma_start3A_148 : memref<1x128x32xf32, #tpu.memory_space<vmem>> -> memref<128x32xf32, #tpu.memory_space<vmem>>
      %dma_start3A_150 = arith.constant 384 : i32
      %dma_start3A_151 = tpu.memref_slice %arg11[%dma_start3A_144, %dma_start3A_150] : memref<4x512xi32, #tpu.memory_space<vmem>> -> memref<1x128xi32, #tpu.memory_space<vmem>>
      %dma_start3A_152 = tpu.memref_squeeze %dma_start3A_151 : memref<1x128xi32, #tpu.memory_space<vmem>> -> memref<128xi32, #tpu.memory_space<vmem>>
      %dma_start3A_153 = arith.constant 0 : i32
      %dma_start3A_154 = arith.constant 0 : i32
      %dma_start3A_155 = tpu.memref_slice %arg3[%dma_start3A_153, %dma_start3A_154] : memref<50048x32xf32, #tpu.memory_space<hbm>> -> memref<50048x32xf32, #tpu.memory_space<hbm>>
      tpu.enqueue_indirect_dma source(%dma_start3A_155 : memref<50048x32xf32, #tpu.memory_space<hbm>>) target(%dma_start3A_149 : memref<128x32xf32, #tpu.memory_space<vmem>>) offsets(%dma_start3A_152 : memref<128xi32, #tpu.memory_space<vmem>>) semaphore(%arg15 : memref<!tpu.dma_semaphore, #tpu.memory_space<semaphore_mem>>)
      %scan3A_156 = arith.constant 0 : i32
      %scan3A_157 = arith.constant 0 : i32
      %scan3A_158 = arith.constant 392 : i32
      %scan3A_159 = arith.addi %scan3A_157, %scan3A_158 : i32
      %scan3A_160 = arith.constant 1 : i32
      scf.for %scan3A_251 = %scan3A_157 to %scan3A_159 step %scan3A_160  : i32 {
        %jit3A = arith.constant 4 : i32
        %div3A = arith.divsi %scan3A_251, %jit3A : i32
        %sign3A = arith.constant 0 : i32
        %sign3A_252 = arith.cmpi sgt, %scan3A_251, %sign3A : i32
        %sign3A_253 = arith.extui %sign3A_252 : i1 to i32
        %sign3A_254 = arith.constant 0 : i32
        %sign3A_255 = arith.cmpi slt, %scan3A_251, %sign3A_254 : i32
        %sign3A_256 = arith.extui %sign3A_255 : i1 to i32
        %sign3A_257 = arith.subi %sign3A_253, %sign3A_256 : i32
        %sign3A_258 = arith.constant 0 : i32
        %sign3A_259 = arith.cmpi sgt, %jit3A, %sign3A_258 : i32
        %sign3A_260 = arith.extui %sign3A_259 : i1 to i32
        %sign3A_261 = arith.constant 0 : i32
        %sign3A_262 = arith.cmpi slt, %jit3A, %sign3A_261 : i32
        %sign3A_263 = arith.extui %sign3A_262 : i1 to i32
        %sign3A_264 = arith.subi %sign3A_260, %sign3A_263 : i32
        %ne3A = arith.cmpi ne, %sign3A_257, %sign3A_264 : i32
        %rem3A = arith.remsi %scan3A_251, %jit3A : i32
        %ne3A_265 = arith.constant 0 : i32
        %ne3A_266 = arith.cmpi ne, %rem3A, %ne3A_265 : i32
        %and3A = arith.andi %ne3A, %ne3A_266 : i1
        %sub3A = arith.constant 1 : i32
        %sub3A_267 = arith.subi %div3A, %sub3A : i32
        %select_n3A = arith.select %and3A, %sub3A_267, %div3A : i32
        %jit3A_268 = arith.constant 4 : i32
        %eq3A_269 = arith.constant 0 : i32
        %eq3A_270 = arith.cmpi eq, %jit3A_268, %eq3A_269 : i32
        %jit3A_271 = arith.constant 1 : i32
        %select_n3A_272 = arith.select %eq3A_270, %jit3A_271, %jit3A_268 : i32
        %rem3A_273 = arith.remsi %scan3A_251, %select_n3A_272 : i32
        %ne3A_274 = arith.constant 0 : i32
        %ne3A_275 = arith.cmpi ne, %rem3A_273, %ne3A_274 : i32
        %lt3A = arith.constant 0 : i32
        %lt3A_276 = arith.cmpi slt, %rem3A_273, %lt3A : i32
        %lt3A_277 = arith.constant 0 : i32
        %lt3A_278 = arith.cmpi slt, %select_n3A_272, %lt3A_277 : i32
        %ne3A_279 = arith.xori %lt3A_276, %lt3A_278 : i1
        %and3A_280 = arith.andi %ne3A_279, %ne3A_275 : i1
        %add3A_281 = arith.addi %rem3A_273, %select_n3A_272 : i32
        %select_n3A_282 = arith.select %and3A_280, %add3A_281, %rem3A_273 : i32
        %eq3A_283 = arith.constant 0 : i32
        %eq3A_284 = arith.cmpi eq, %select_n3A_282, %eq3A_283 : i32
        %add3A_285 = arith.constant 1 : i32
        %add3A_286 = arith.addi %select_n3A, %add3A_285 : i32
        %lt3A_287 = arith.constant 98 : i32
        %lt3A_288 = arith.cmpi slt, %add3A_286, %lt3A_287 : i32
        %and3A_289 = arith.andi %eq3A_284, %lt3A_288 : i1
        %convert_element_type3A_290 = arith.extui %and3A_289 : i1 to i32
        %cond3A_291 = arith.constant 0 : i32
        %cond3A_292 = arith.cmpi ne, %convert_element_type3A_290, %cond3A_291 : i32
        scf.if %cond3A_292 {
          %dma_wait3A_374 = arith.constant 0 : i32
          %dma_wait3A_375 = arith.constant 0 : i32
          %dma_wait3A_376 = tpu.memref_slice %arg11[%dma_wait3A_374, %dma_wait3A_375] : memref<4x512xi32, #tpu.memory_space<vmem>> -> memref<1x512xi32, #tpu.memory_space<vmem>>
          %dma_wait3A_377 = tpu.memref_squeeze %dma_wait3A_376 : memref<1x512xi32, #tpu.memory_space<vmem>> -> memref<512xi32, #tpu.memory_space<vmem>>
          %dma_wait3A_378 = arith.constant 0 : i32
          %dma_wait3A_379 = tpu.memref_slice %arg6[%dma_wait3A_378] : memref<802816xi32, #tpu.memory_space<hbm>> -> memref<512xi32, #tpu.memory_space<hbm>>
          %dma_wait3A_380 = arith.constant 0 : i32
          %dma_wait3A_381 = tpu.memref_slice %arg11[%dma_wait3A_374, %dma_wait3A_380] : memref<4x512xi32, #tpu.memory_space<vmem>> -> memref<1x512xi32, #tpu.memory_space<vmem>>
          %dma_wait3A_382 = tpu.memref_squeeze %dma_wait3A_381 : memref<1x512xi32, #tpu.memory_space<vmem>> -> memref<512xi32, #tpu.memory_space<vmem>>
          %dma_wait3A_383 = arith.constant 0 : i32
          %dma_wait3A_384 = tpu.memref_slice %arg6[%dma_wait3A_383] : memref<802816xi32, #tpu.memory_space<hbm>> -> memref<512xi32, #tpu.memory_space<hbm>>
          tpu.wait_dma2 semaphore(%arg17 : memref<!tpu.dma_semaphore, #tpu.memory_space<semaphore_mem>>) src(%dma_wait3A_384 : memref<512xi32, #tpu.memory_space<hbm>>) dst(%dma_wait3A_382 : memref<512xi32, #tpu.memory_space<vmem>>)
          %dma_wait3A_385 = arith.constant 0 : i32
          %dma_wait3A_386 = arith.constant 0 : i32
          %dma_wait3A_387 = arith.constant 0 : i32
          %dma_wait3A_388 = tpu.memref_slice %arg12[%dma_wait3A_385, %dma_wait3A_386, %dma_wait3A_387] : memref<4x4x128xi32, #tpu.memory_space<vmem>> -> memref<1x1x128xi32, #tpu.memory_space<vmem>>
          %dma_wait3A_389 = tpu.memref_squeeze %dma_wait3A_388 : memref<1x1x128xi32, #tpu.memory_space<vmem>> -> memref<128xi32, #tpu.memory_space<vmem>>
          %dma_wait3A_390 = arith.constant 0 : i32
          %dma_wait3A_391 = tpu.memref_slice %arg7[%dma_wait3A_390] : memref<802816xi32, #tpu.memory_space<hbm>> -> memref<128xi32, #tpu.memory_space<hbm>>
          %dma_wait3A_392 = arith.constant 0 : i32
          %dma_wait3A_393 = tpu.memref_slice %arg12[%dma_wait3A_385, %dma_wait3A_386, %dma_wait3A_392] : memref<4x4x128xi32, #tpu.memory_space<vmem>> -> memref<1x1x128xi32, #tpu.memory_space<vmem>>
          %dma_wait3A_394 = tpu.memref_squeeze %dma_wait3A_393 : memref<1x1x128xi32, #tpu.memory_space<vmem>> -> memref<128xi32, #tpu.memory_space<vmem>>
          %dma_wait3A_395 = arith.constant 0 : i32
          %dma_wait3A_396 = tpu.memref_slice %arg7[%dma_wait3A_395] : memref<802816xi32, #tpu.memory_space<hbm>> -> memref<128xi32, #tpu.memory_space<hbm>>
          tpu.wait_dma2 semaphore(%arg17 : memref<!tpu.dma_semaphore, #tpu.memory_space<semaphore_mem>>) src(%dma_wait3A_396 : memref<128xi32, #tpu.memory_space<hbm>>) dst(%dma_wait3A_394 : memref<128xi32, #tpu.memory_space<vmem>>)
          %dma_wait3A_397 = arith.constant 0 : i32
          %dma_wait3A_398 = arith.constant 1 : i32
          %dma_wait3A_399 = arith.constant 0 : i32
          %dma_wait3A_400 = tpu.memref_slice %arg12[%dma_wait3A_397, %dma_wait3A_398, %dma_wait3A_399] : memref<4x4x128xi32, #tpu.memory_space<vmem>> -> memref<1x1x128xi32, #tpu.memory_space<vmem>>
          %dma_wait3A_401 = tpu.memref_squeeze %dma_wait3A_400 : memref<1x1x128xi32, #tpu.memory_space<vmem>> -> memref<128xi32, #tpu.memory_space<vmem>>
          %dma_wait3A_402 = arith.constant 0 : i32
          %dma_wait3A_403 = tpu.memref_slice %arg7[%dma_wait3A_402] : memref<802816xi32, #tpu.memory_space<hbm>> -> memref<128xi32, #tpu.memory_space<hbm>>
          %dma_wait3A_404 = arith.constant 0 : i32
          %dma_wait3A_405 = tpu.memref_slice %arg12[%dma_wait3A_397, %dma_wait3A_398, %dma_wait3A_404] : memref<4x4x128xi32, #tpu.memory_space<vmem>> -> memref<1x1x128xi32, #tpu.memory_space<vmem>>
          %dma_wait3A_406 = tpu.memref_squeeze %dma_wait3A_405 : memref<1x1x128xi32, #tpu.memory_space<vmem>> -> memref<128xi32, #tpu.memory_space<vmem>>
          %dma_wait3A_407 = arith.constant 0 : i32
          %dma_wait3A_408 = tpu.memref_slice %arg7[%dma_wait3A_407] : memref<802816xi32, #tpu.memory_space<hbm>> -> memref<128xi32, #tpu.memory_space<hbm>>
          tpu.wait_dma2 semaphore(%arg17 : memref<!tpu.dma_semaphore, #tpu.memory_space<semaphore_mem>>) src(%dma_wait3A_408 : memref<128xi32, #tpu.memory_space<hbm>>) dst(%dma_wait3A_406 : memref<128xi32, #tpu.memory_space<vmem>>)
          %dma_wait3A_409 = arith.constant 0 : i32
          %dma_wait3A_410 = arith.constant 2 : i32
          %dma_wait3A_411 = arith.constant 0 : i32
          %dma_wait3A_412 = tpu.memref_slice %arg12[%dma_wait3A_409, %dma_wait3A_410, %dma_wait3A_411] : memref<4x4x128xi32, #tpu.memory_space<vmem>> -> memref<1x1x128xi32, #tpu.memory_space<vmem>>
          %dma_wait3A_413 = tpu.memref_squeeze %dma_wait3A_412 : memref<1x1x128xi32, #tpu.memory_space<vmem>> -> memref<128xi32, #tpu.memory_space<vmem>>
          %dma_wait3A_414 = arith.constant 0 : i32
          %dma_wait3A_415 = tpu.memref_slice %arg7[%dma_wait3A_414] : memref<802816xi32, #tpu.memory_space<hbm>> -> memref<128xi32, #tpu.memory_space<hbm>>
          %dma_wait3A_416 = arith.constant 0 : i32
          %dma_wait3A_417 = tpu.memref_slice %arg12[%dma_wait3A_409, %dma_wait3A_410, %dma_wait3A_416] : memref<4x4x128xi32, #tpu.memory_space<vmem>> -> memref<1x1x128xi32, #tpu.memory_space<vmem>>
          %dma_wait3A_418 = tpu.memref_squeeze %dma_wait3A_417 : memref<1x1x128xi32, #tpu.memory_space<vmem>> -> memref<128xi32, #tpu.memory_space<vmem>>
          %dma_wait3A_419 = arith.constant 0 : i32
          %dma_wait3A_420 = tpu.memref_slice %arg7[%dma_wait3A_419] : memref<802816xi32, #tpu.memory_space<hbm>> -> memref<128xi32, #tpu.memory_space<hbm>>
          tpu.wait_dma2 semaphore(%arg17 : memref<!tpu.dma_semaphore, #tpu.memory_space<semaphore_mem>>) src(%dma_wait3A_420 : memref<128xi32, #tpu.memory_space<hbm>>) dst(%dma_wait3A_418 : memref<128xi32, #tpu.memory_space<vmem>>)
          %dma_wait3A_421 = arith.constant 0 : i32
          %dma_wait3A_422 = arith.constant 3 : i32
          %dma_wait3A_423 = arith.constant 0 : i32
          %dma_wait3A_424 = tpu.memref_slice %arg12[%dma_wait3A_421, %dma_wait3A_422, %dma_wait3A_423] : memref<4x4x128xi32, #tpu.memory_space<vmem>> -> memref<1x1x128xi32, #tpu.memory_space<vmem>>
          %dma_wait3A_425 = tpu.memref_squeeze %dma_wait3A_424 : memref<1x1x128xi32, #tpu.memory_space<vmem>> -> memref<128xi32, #tpu.memory_space<vmem>>
          %dma_wait3A_426 = arith.constant 0 : i32
          %dma_wait3A_427 = tpu.memref_slice %arg7[%dma_wait3A_426] : memref<802816xi32, #tpu.memory_space<hbm>> -> memref<128xi32, #tpu.memory_space<hbm>>
          %dma_wait3A_428 = arith.constant 0 : i32
          %dma_wait3A_429 = tpu.memref_slice %arg12[%dma_wait3A_421, %dma_wait3A_422, %dma_wait3A_428] : memref<4x4x128xi32, #tpu.memory_space<vmem>> -> memref<1x1x128xi32, #tpu.memory_space<vmem>>
          %dma_wait3A_430 = tpu.memref_squeeze %dma_wait3A_429 : memref<1x1x128xi32, #tpu.memory_space<vmem>> -> memref<128xi32, #tpu.memory_space<vmem>>
          %dma_wait3A_431 = arith.constant 0 : i32
          %dma_wait3A_432 = tpu.memref_slice %arg7[%dma_wait3A_431] : memref<802816xi32, #tpu.memory_space<hbm>> -> memref<128xi32, #tpu.memory_space<hbm>>
          tpu.wait_dma2 semaphore(%arg17 : memref<!tpu.dma_semaphore, #tpu.memory_space<semaphore_mem>>) src(%dma_wait3A_432 : memref<128xi32, #tpu.memory_space<hbm>>) dst(%dma_wait3A_430 : memref<128xi32, #tpu.memory_space<vmem>>)
        } else {
        }
        %eq3A_293 = arith.constant 2 : i32
        %eq3A_294 = arith.cmpi eq, %select_n3A_282, %eq3A_293 : i32
        %add3A_295 = arith.constant 2 : i32
        %add3A_296 = arith.addi %select_n3A, %add3A_295 : i32
        %lt3A_297 = arith.constant 98 : i32
        %lt3A_298 = arith.cmpi slt, %add3A_296, %lt3A_297 : i32
        %and3A_299 = arith.andi %eq3A_294, %lt3A_298 : i1
        %convert_element_type3A_300 = arith.extui %and3A_299 : i1 to i32
        %cond3A_301 = arith.constant 0 : i32
        %cond3A_302 = arith.cmpi ne, %convert_element_type3A_300, %cond3A_301 : i32
        scf.if %cond3A_302 {
          %add3A_374 = arith.constant 2 : i32
          %add3A_375 = arith.addi %select_n3A, %add3A_374 : i32
          %add3A_376 = arith.constant 2 : i32
          %add3A_377 = arith.addi %select_n3A, %add3A_376 : i32
          %jit3A_378 = arith.constant 4 : i32
          %eq3A_379 = arith.constant 0 : i32
          %eq3A_380 = arith.cmpi eq, %jit3A_378, %eq3A_379 : i32
          %jit3A_381 = arith.constant 1 : i32
          %select_n3A_382 = arith.select %eq3A_380, %jit3A_381, %jit3A_378 : i32
          %rem3A_383 = arith.remsi %add3A_377, %select_n3A_382 : i32
          %ne3A_384 = arith.constant 0 : i32
          %ne3A_385 = arith.cmpi ne, %rem3A_383, %ne3A_384 : i32
          %lt3A_386 = arith.constant 0 : i32
          %lt3A_387 = arith.cmpi slt, %rem3A_383, %lt3A_386 : i32
          %lt3A_388 = arith.constant 0 : i32
          %lt3A_389 = arith.cmpi slt, %select_n3A_382, %lt3A_388 : i32
          %ne3A_390 = arith.xori %lt3A_387, %lt3A_389 : i1
          %and3A_391 = arith.andi %ne3A_390, %ne3A_385 : i1
          %add3A_392 = arith.addi %rem3A_383, %select_n3A_382 : i32
          %select_n3A_393 = arith.select %and3A_391, %add3A_392, %rem3A_383 : i32
          %add3A_394 = arith.addi %mul3A_30, %add3A_375 : i32
          %mul3A_395 = arith.constant 512 : i32
          %mul3A_396 = arith.muli %add3A_394, %mul3A_395 : i32
          %dma_start3A_397 = arith.constant 0 : i32
          %dma_start3A_398 = tpu.memref_slice %arg11[%select_n3A_393, %dma_start3A_397] : memref<4x512xi32, #tpu.memory_space<vmem>> -> memref<1x512xi32, #tpu.memory_space<vmem>>
          %dma_start3A_399 = tpu.memref_squeeze %dma_start3A_398 : memref<1x512xi32, #tpu.memory_space<vmem>> -> memref<512xi32, #tpu.memory_space<vmem>>
          %dma_start3A_400 = tpu.memref_slice %arg6[%mul3A_396] : memref<802816xi32, #tpu.memory_space<hbm>> -> memref<512xi32, #tpu.memory_space<hbm>>
          %dma_start3A_401 = arith.constant 0 : i32
          %dma_start3A_402 = tpu.memref_slice %arg11[%select_n3A_393, %dma_start3A_401] : memref<4x512xi32, #tpu.memory_space<vmem>> -> memref<1x512xi32, #tpu.memory_space<vmem>>
          %dma_start3A_403 = tpu.memref_squeeze %dma_start3A_402 : memref<1x512xi32, #tpu.memory_space<vmem>> -> memref<512xi32, #tpu.memory_space<vmem>>
          %dma_start3A_404 = tpu.memref_slice %arg6[%mul3A_396] : memref<802816xi32, #tpu.memory_space<hbm>> -> memref<512xi32, #tpu.memory_space<hbm>>
          tpu.enqueue_dma source(%dma_start3A_404 : memref<512xi32, #tpu.memory_space<hbm>>) target(%dma_start3A_403 : memref<512xi32, #tpu.memory_space<vmem>>) target_semaphore(%arg17 : memref<!tpu.dma_semaphore, #tpu.memory_space<semaphore_mem>>)
          %add3A_405 = arith.constant 0 : i32
          %add3A_406 = arith.addi %mul3A_396, %add3A_405 : i32
          %dma_start3A_407 = arith.constant 0 : i32
          %dma_start3A_408 = arith.constant 0 : i32
          %dma_start3A_409 = tpu.memref_slice %arg12[%select_n3A_393, %dma_start3A_407, %dma_start3A_408] : memref<4x4x128xi32, #tpu.memory_space<vmem>> -> memref<1x1x128xi32, #tpu.memory_space<vmem>>
          %dma_start3A_410 = tpu.memref_squeeze %dma_start3A_409 : memref<1x1x128xi32, #tpu.memory_space<vmem>> -> memref<128xi32, #tpu.memory_space<vmem>>
          %dma_start3A_411 = tpu.memref_slice %arg7[%add3A_406] : memref<802816xi32, #tpu.memory_space<hbm>> -> memref<128xi32, #tpu.memory_space<hbm>>
          %dma_start3A_412 = arith.constant 0 : i32
          %dma_start3A_413 = tpu.memref_slice %arg12[%select_n3A_393, %dma_start3A_407, %dma_start3A_412] : memref<4x4x128xi32, #tpu.memory_space<vmem>> -> memref<1x1x128xi32, #tpu.memory_space<vmem>>
          %dma_start3A_414 = tpu.memref_squeeze %dma_start3A_413 : memref<1x1x128xi32, #tpu.memory_space<vmem>> -> memref<128xi32, #tpu.memory_space<vmem>>
          %dma_start3A_415 = tpu.memref_slice %arg7[%add3A_406] : memref<802816xi32, #tpu.memory_space<hbm>> -> memref<128xi32, #tpu.memory_space<hbm>>
          tpu.enqueue_dma source(%dma_start3A_415 : memref<128xi32, #tpu.memory_space<hbm>>) target(%dma_start3A_414 : memref<128xi32, #tpu.memory_space<vmem>>) target_semaphore(%arg17 : memref<!tpu.dma_semaphore, #tpu.memory_space<semaphore_mem>>)
          %add3A_416 = arith.constant 128 : i32
          %add3A_417 = arith.addi %mul3A_396, %add3A_416 : i32
          %dma_start3A_418 = arith.constant 1 : i32
          %dma_start3A_419 = arith.constant 0 : i32
          %dma_start3A_420 = tpu.memref_slice %arg12[%select_n3A_393, %dma_start3A_418, %dma_start3A_419] : memref<4x4x128xi32, #tpu.memory_space<vmem>> -> memref<1x1x128xi32, #tpu.memory_space<vmem>>
          %dma_start3A_421 = tpu.memref_squeeze %dma_start3A_420 : memref<1x1x128xi32, #tpu.memory_space<vmem>> -> memref<128xi32, #tpu.memory_space<vmem>>
          %dma_start3A_422 = tpu.memref_slice %arg7[%add3A_417] : memref<802816xi32, #tpu.memory_space<hbm>> -> memref<128xi32, #tpu.memory_space<hbm>>
          %dma_start3A_423 = arith.constant 0 : i32
          %dma_start3A_424 = tpu.memref_slice %arg12[%select_n3A_393, %dma_start3A_418, %dma_start3A_423] : memref<4x4x128xi32, #tpu.memory_space<vmem>> -> memref<1x1x128xi32, #tpu.memory_space<vmem>>
          %dma_start3A_425 = tpu.memref_squeeze %dma_start3A_424 : memref<1x1x128xi32, #tpu.memory_space<vmem>> -> memref<128xi32, #tpu.memory_space<vmem>>
          %dma_start3A_426 = tpu.memref_slice %arg7[%add3A_417] : memref<802816xi32, #tpu.memory_space<hbm>> -> memref<128xi32, #tpu.memory_space<hbm>>
          tpu.enqueue_dma source(%dma_start3A_426 : memref<128xi32, #tpu.memory_space<hbm>>) target(%dma_start3A_425 : memref<128xi32, #tpu.memory_space<vmem>>) target_semaphore(%arg17 : memref<!tpu.dma_semaphore, #tpu.memory_space<semaphore_mem>>)
          %add3A_427 = arith.constant 256 : i32
          %add3A_428 = arith.addi %mul3A_396, %add3A_427 : i32
          %dma_start3A_429 = arith.constant 2 : i32
          %dma_start3A_430 = arith.constant 0 : i32
          %dma_start3A_431 = tpu.memref_slice %arg12[%select_n3A_393, %dma_start3A_429, %dma_start3A_430] : memref<4x4x128xi32, #tpu.memory_space<vmem>> -> memref<1x1x128xi32, #tpu.memory_space<vmem>>
          %dma_start3A_432 = tpu.memref_squeeze %dma_start3A_431 : memref<1x1x128xi32, #tpu.memory_space<vmem>> -> memref<128xi32, #tpu.memory_space<vmem>>
          %dma_start3A_433 = tpu.memref_slice %arg7[%add3A_428] : memref<802816xi32, #tpu.memory_space<hbm>> -> memref<128xi32, #tpu.memory_space<hbm>>
          %dma_start3A_434 = arith.constant 0 : i32
          %dma_start3A_435 = tpu.memref_slice %arg12[%select_n3A_393, %dma_start3A_429, %dma_start3A_434] : memref<4x4x128xi32, #tpu.memory_space<vmem>> -> memref<1x1x128xi32, #tpu.memory_space<vmem>>
          %dma_start3A_436 = tpu.memref_squeeze %dma_start3A_435 : memref<1x1x128xi32, #tpu.memory_space<vmem>> -> memref<128xi32, #tpu.memory_space<vmem>>
          %dma_start3A_437 = tpu.memref_slice %arg7[%add3A_428] : memref<802816xi32, #tpu.memory_space<hbm>> -> memref<128xi32, #tpu.memory_space<hbm>>
          tpu.enqueue_dma source(%dma_start3A_437 : memref<128xi32, #tpu.memory_space<hbm>>) target(%dma_start3A_436 : memref<128xi32, #tpu.memory_space<vmem>>) target_semaphore(%arg17 : memref<!tpu.dma_semaphore, #tpu.memory_space<semaphore_mem>>)
          %add3A_438 = arith.constant 384 : i32
          %add3A_439 = arith.addi %mul3A_396, %add3A_438 : i32
          %dma_start3A_440 = arith.constant 3 : i32
          %dma_start3A_441 = arith.constant 0 : i32
          %dma_start3A_442 = tpu.memref_slice %arg12[%select_n3A_393, %dma_start3A_440, %dma_start3A_441] : memref<4x4x128xi32, #tpu.memory_space<vmem>> -> memref<1x1x128xi32, #tpu.memory_space<vmem>>
          %dma_start3A_443 = tpu.memref_squeeze %dma_start3A_442 : memref<1x1x128xi32, #tpu.memory_space<vmem>> -> memref<128xi32, #tpu.memory_space<vmem>>
          %dma_start3A_444 = tpu.memref_slice %arg7[%add3A_439] : memref<802816xi32, #tpu.memory_space<hbm>> -> memref<128xi32, #tpu.memory_space<hbm>>
          %dma_start3A_445 = arith.constant 0 : i32
          %dma_start3A_446 = tpu.memref_slice %arg12[%select_n3A_393, %dma_start3A_440, %dma_start3A_445] : memref<4x4x128xi32, #tpu.memory_space<vmem>> -> memref<1x1x128xi32, #tpu.memory_space<vmem>>
          %dma_start3A_447 = tpu.memref_squeeze %dma_start3A_446 : memref<1x1x128xi32, #tpu.memory_space<vmem>> -> memref<128xi32, #tpu.memory_space<vmem>>
          %dma_start3A_448 = tpu.memref_slice %arg7[%add3A_439] : memref<802816xi32, #tpu.memory_space<hbm>> -> memref<128xi32, #tpu.memory_space<hbm>>
          tpu.enqueue_dma source(%dma_start3A_448 : memref<128xi32, #tpu.memory_space<hbm>>) target(%dma_start3A_447 : memref<128xi32, #tpu.memory_space<vmem>>) target_semaphore(%arg17 : memref<!tpu.dma_semaphore, #tpu.memory_space<semaphore_mem>>)
        } else {
        }
        %dma_wait3A_303 = arith.constant 0 : i32
        %dma_wait3A_304 = arith.constant 0 : i32
        %dma_wait3A_305 = arith.constant 0 : i32
        %dma_wait3A_306 = tpu.memref_slice %arg13[%dma_wait3A_303, %dma_wait3A_304, %dma_wait3A_305] : memref<6x128x32xf32, #tpu.memory_space<vmem>> -> memref<1x128x32xf32, #tpu.memory_space<vmem>>
        %dma_wait3A_307 = tpu.memref_squeeze %dma_wait3A_306 : memref<1x128x32xf32, #tpu.memory_space<vmem>> -> memref<128x32xf32, #tpu.memory_space<vmem>>
        %dma_wait3A_308 = arith.constant 0 : i32
        %dma_wait3A_309 = arith.constant 0 : i32
        %dma_wait3A_310 = tpu.memref_slice %arg3[%dma_wait3A_308, %dma_wait3A_309] : memref<50048x32xf32, #tpu.memory_space<hbm>> -> memref<128x32xf32, #tpu.memory_space<hbm>>
        %dma_wait3A_311 = arith.constant 0 : i32
        %dma_wait3A_312 = arith.constant 0 : i32
        %dma_wait3A_313 = tpu.memref_slice %arg13[%dma_wait3A_303, %dma_wait3A_311, %dma_wait3A_312] : memref<6x128x32xf32, #tpu.memory_space<vmem>> -> memref<1x128x32xf32, #tpu.memory_space<vmem>>
        %dma_wait3A_314 = tpu.memref_squeeze %dma_wait3A_313 : memref<1x128x32xf32, #tpu.memory_space<vmem>> -> memref<128x32xf32, #tpu.memory_space<vmem>>
        %dma_wait3A_315 = arith.constant 0 : i32
        %dma_wait3A_316 = arith.constant 0 : i32
        %dma_wait3A_317 = tpu.memref_slice %arg3[%dma_wait3A_315, %dma_wait3A_316] : memref<50048x32xf32, #tpu.memory_space<hbm>> -> memref<128x32xf32, #tpu.memory_space<hbm>>
        tpu.wait_dma2 semaphore(%arg15 : memref<!tpu.dma_semaphore, #tpu.memory_space<semaphore_mem>>) src(%dma_wait3A_317 : memref<128x32xf32, #tpu.memory_space<hbm>>) dst(%dma_wait3A_314 : memref<128x32xf32, #tpu.memory_space<vmem>>)
        %add3A_318 = arith.constant 4 : i32
        %add3A_319 = arith.addi %scan3A_251, %add3A_318 : i32
        %lt3A_320 = arith.constant 392 : i32
        %lt3A_321 = arith.cmpi slt, %add3A_319, %lt3A_320 : i32
        %ge3A = arith.constant 2 : i32
        %ge3A_322 = arith.cmpi sge, %scan3A_251, %ge3A : i32
        %and3A_323 = arith.andi %lt3A_321, %ge3A_322 : i1
        %convert_element_type3A_324 = arith.extui %and3A_323 : i1 to i32
        %cond3A_325 = arith.constant 0 : i32
        %cond3A_326 = arith.cmpi ne, %convert_element_type3A_324, %cond3A_325 : i32
        scf.if %cond3A_326 {
          %dma_wait3A_374 = arith.constant 0 : i32
          %dma_wait3A_375 = arith.constant 0 : i32
          %dma_wait3A_376 = arith.constant 0 : i32
          %dma_wait3A_377 = tpu.memref_slice %arg13[%dma_wait3A_374, %dma_wait3A_375, %dma_wait3A_376] : memref<6x128x32xf32, #tpu.memory_space<vmem>> -> memref<1x128x32xf32, #tpu.memory_space<vmem>>
          %dma_wait3A_378 = tpu.memref_squeeze %dma_wait3A_377 : memref<1x128x32xf32, #tpu.memory_space<vmem>> -> memref<128x32xf32, #tpu.memory_space<vmem>>
          %dma_wait3A_379 = arith.constant 0 : i32
          %dma_wait3A_380 = arith.constant 0 : i32
          %dma_wait3A_381 = tpu.memref_slice %arg3[%dma_wait3A_379, %dma_wait3A_380] : memref<50048x32xf32, #tpu.memory_space<hbm>> -> memref<128x32xf32, #tpu.memory_space<hbm>>
          %dma_wait3A_382 = arith.constant 0 : i32
          %dma_wait3A_383 = arith.constant 0 : i32
          %dma_wait3A_384 = tpu.memref_slice %arg13[%dma_wait3A_374, %dma_wait3A_382, %dma_wait3A_383] : memref<6x128x32xf32, #tpu.memory_space<vmem>> -> memref<1x128x32xf32, #tpu.memory_space<vmem>>
          %dma_wait3A_385 = tpu.memref_squeeze %dma_wait3A_384 : memref<1x128x32xf32, #tpu.memory_space<vmem>> -> memref<128x32xf32, #tpu.memory_space<vmem>>
          %dma_wait3A_386 = arith.constant 0 : i32
          %dma_wait3A_387 = arith.constant 0 : i32
          %dma_wait3A_388 = tpu.memref_slice %arg3[%dma_wait3A_386, %dma_wait3A_387] : memref<50048x32xf32, #tpu.memory_space<hbm>> -> memref<128x32xf32, #tpu.memory_space<hbm>>
          tpu.wait_dma2 semaphore(%arg16 : memref<!tpu.dma_semaphore, #tpu.memory_space<semaphore_mem>>) src(%dma_wait3A_388 : memref<128x32xf32, #tpu.memory_space<hbm>>) dst(%dma_wait3A_385 : memref<128x32xf32, #tpu.memory_space<vmem>>)
        } else {
        }
        %lt3A_327 = arith.constant 392 : i32
        %lt3A_328 = arith.cmpi slt, %add3A_319, %lt3A_327 : i32
        %convert_element_type3A_329 = arith.extui %lt3A_328 : i1 to i32
        %cond3A_330 = arith.constant 0 : i32
        %cond3A_331 = arith.cmpi ne, %convert_element_type3A_329, %cond3A_330 : i32
        scf.if %cond3A_331 {
          %jit3A_374 = arith.constant 4 : i32
          %eq3A_375 = arith.constant 0 : i32
          %eq3A_376 = arith.cmpi eq, %jit3A_374, %eq3A_375 : i32
          %jit3A_377 = arith.constant 1 : i32
          %select_n3A_378 = arith.select %eq3A_376, %jit3A_377, %jit3A_374 : i32
          %rem3A_379 = arith.remsi %add3A_319, %select_n3A_378 : i32
          %ne3A_380 = arith.constant 0 : i32
          %ne3A_381 = arith.cmpi ne, %rem3A_379, %ne3A_380 : i32
          %lt3A_382 = arith.constant 0 : i32
          %lt3A_383 = arith.cmpi slt, %rem3A_379, %lt3A_382 : i32
          %lt3A_384 = arith.constant 0 : i32
          %lt3A_385 = arith.cmpi slt, %select_n3A_378, %lt3A_384 : i32
          %ne3A_386 = arith.xori %lt3A_383, %lt3A_385 : i1
          %and3A_387 = arith.andi %ne3A_386, %ne3A_381 : i1
          %add3A_388 = arith.addi %rem3A_379, %select_n3A_378 : i32
          %select_n3A_389 = arith.select %and3A_387, %add3A_388, %rem3A_379 : i32
          %jit3A_390 = arith.constant 4 : i32
          %div3A_391 = arith.divsi %add3A_319, %jit3A_390 : i32
          %sign3A_392 = arith.constant 0 : i32
          %sign3A_393 = arith.cmpi sgt, %add3A_319, %sign3A_392 : i32
          %sign3A_394 = arith.extui %sign3A_393 : i1 to i32
          %sign3A_395 = arith.constant 0 : i32
          %sign3A_396 = arith.cmpi slt, %add3A_319, %sign3A_395 : i32
          %sign3A_397 = arith.extui %sign3A_396 : i1 to i32
          %sign3A_398 = arith.subi %sign3A_394, %sign3A_397 : i32
          %sign3A_399 = arith.constant 0 : i32
          %sign3A_400 = arith.cmpi sgt, %jit3A_390, %sign3A_399 : i32
          %sign3A_401 = arith.extui %sign3A_400 : i1 to i32
          %sign3A_402 = arith.constant 0 : i32
          %sign3A_403 = arith.cmpi slt, %jit3A_390, %sign3A_402 : i32
          %sign3A_404 = arith.extui %sign3A_403 : i1 to i32
          %sign3A_405 = arith.subi %sign3A_401, %sign3A_404 : i32
          %ne3A_406 = arith.cmpi ne, %sign3A_398, %sign3A_405 : i32
          %rem3A_407 = arith.remsi %add3A_319, %jit3A_390 : i32
          %ne3A_408 = arith.constant 0 : i32
          %ne3A_409 = arith.cmpi ne, %rem3A_407, %ne3A_408 : i32
          %and3A_410 = arith.andi %ne3A_406, %ne3A_409 : i1
          %sub3A_411 = arith.constant 1 : i32
          %sub3A_412 = arith.subi %div3A_391, %sub3A_411 : i32
          %select_n3A_413 = arith.select %and3A_410, %sub3A_412, %div3A_391 : i32
          %jit3A_414 = arith.constant 4 : i32
          %eq3A_415 = arith.constant 0 : i32
          %eq3A_416 = arith.cmpi eq, %jit3A_414, %eq3A_415 : i32
          %jit3A_417 = arith.constant 1 : i32
          %select_n3A_418 = arith.select %eq3A_416, %jit3A_417, %jit3A_414 : i32
          %rem3A_419 = arith.remsi %select_n3A_413, %select_n3A_418 : i32
          %ne3A_420 = arith.constant 0 : i32
          %ne3A_421 = arith.cmpi ne, %rem3A_419, %ne3A_420 : i32
          %lt3A_422 = arith.constant 0 : i32
          %lt3A_423 = arith.cmpi slt, %rem3A_419, %lt3A_422 : i32
          %lt3A_424 = arith.constant 0 : i32
          %lt3A_425 = arith.cmpi slt, %select_n3A_418, %lt3A_424 : i32
          %ne3A_426 = arith.xori %lt3A_423, %lt3A_425 : i1
          %and3A_427 = arith.andi %ne3A_426, %ne3A_421 : i1
          %add3A_428 = arith.addi %rem3A_419, %select_n3A_418 : i32
          %select_n3A_429 = arith.select %and3A_427, %add3A_428, %rem3A_419 : i32
          %mul3A_430 = arith.constant 128 : i32
          %mul3A_431 = arith.muli %select_n3A_389, %mul3A_430 : i32
          %jit3A_432 = arith.constant 6 : i32
          %eq3A_433 = arith.constant 0 : i32
          %eq3A_434 = arith.cmpi eq, %jit3A_432, %eq3A_433 : i32
          %jit3A_435 = arith.constant 1 : i32
          %select_n3A_436 = arith.select %eq3A_434, %jit3A_435, %jit3A_432 : i32
          %rem3A_437 = arith.remsi %add3A_319, %select_n3A_436 : i32
          %ne3A_438 = arith.constant 0 : i32
          %ne3A_439 = arith.cmpi ne, %rem3A_437, %ne3A_438 : i32
          %lt3A_440 = arith.constant 0 : i32
          %lt3A_441 = arith.cmpi slt, %rem3A_437, %lt3A_440 : i32
          %lt3A_442 = arith.constant 0 : i32
          %lt3A_443 = arith.cmpi slt, %select_n3A_436, %lt3A_442 : i32
          %ne3A_444 = arith.xori %lt3A_441, %lt3A_443 : i1
          %and3A_445 = arith.andi %ne3A_444, %ne3A_439 : i1
          %add3A_446 = arith.addi %rem3A_437, %select_n3A_436 : i32
          %select_n3A_447 = arith.select %and3A_445, %add3A_446, %rem3A_437 : i32
          %dma_start3A_448 = arith.constant 0 : i32
          %dma_start3A_449 = arith.constant 0 : i32
          %dma_start3A_450 = tpu.memref_slice %arg13[%select_n3A_447, %dma_start3A_448, %dma_start3A_449] : memref<6x128x32xf32, #tpu.memory_space<vmem>> -> memref<1x128x32xf32, #tpu.memory_space<vmem>>
          %dma_start3A_451 = tpu.memref_squeeze %dma_start3A_450 : memref<1x128x32xf32, #tpu.memory_space<vmem>> -> memref<128x32xf32, #tpu.memory_space<vmem>>
          %dma_start3A_452 = tpu.memref_slice %arg11[%select_n3A_429, %mul3A_431] : memref<4x512xi32, #tpu.memory_space<vmem>> -> memref<1x128xi32, #tpu.memory_space<vmem>>
          %dma_start3A_453 = tpu.memref_squeeze %dma_start3A_452 : memref<1x128xi32, #tpu.memory_space<vmem>> -> memref<128xi32, #tpu.memory_space<vmem>>
          %dma_start3A_454 = arith.constant 0 : i32
          %dma_start3A_455 = arith.constant 0 : i32
          %dma_start3A_456 = tpu.memref_slice %arg3[%dma_start3A_454, %dma_start3A_455] : memref<50048x32xf32, #tpu.memory_space<hbm>> -> memref<50048x32xf32, #tpu.memory_space<hbm>>
          tpu.enqueue_indirect_dma source(%dma_start3A_456 : memref<50048x32xf32, #tpu.memory_space<hbm>>) target(%dma_start3A_451 : memref<128x32xf32, #tpu.memory_space<vmem>>) offsets(%dma_start3A_453 : memref<128xi32, #tpu.memory_space<vmem>>) semaphore(%arg15 : memref<!tpu.dma_semaphore, #tpu.memory_space<semaphore_mem>>)
        } else {
        }
        %jit3A_332 = arith.constant 6 : i32
        %eq3A_333 = arith.constant 0 : i32
        %eq3A_334 = arith.cmpi eq, %jit3A_332, %eq3A_333 : i32
        %jit3A_335 = arith.constant 1 : i32
        %select_n3A_336 = arith.select %eq3A_334, %jit3A_335, %jit3A_332 : i32
        %rem3A_337 = arith.remsi %scan3A_251, %select_n3A_336 : i32
        %ne3A_338 = arith.constant 0 : i32
        %ne3A_339 = arith.cmpi ne, %rem3A_337, %ne3A_338 : i32
        %lt3A_340 = arith.constant 0 : i32
        %lt3A_341 = arith.cmpi slt, %rem3A_337, %lt3A_340 : i32
        %lt3A_342 = arith.constant 0 : i32
        %lt3A_343 = arith.cmpi slt, %select_n3A_336, %lt3A_342 : i32
        %ne3A_344 = arith.xori %lt3A_341, %lt3A_343 : i1
        %and3A_345 = arith.andi %ne3A_344, %ne3A_339 : i1
        %add3A_346 = arith.addi %rem3A_337, %select_n3A_336 : i32
        %select_n3A_347 = arith.select %and3A_345, %add3A_346, %rem3A_337 : i32
        %jit3A_348 = arith.constant 4 : i32
        %eq3A_349 = arith.constant 0 : i32
        %eq3A_350 = arith.cmpi eq, %jit3A_348, %eq3A_349 : i32
        %jit3A_351 = arith.constant 1 : i32
        %select_n3A_352 = arith.select %eq3A_350, %jit3A_351, %jit3A_348 : i32
        %rem3A_353 = arith.remsi %select_n3A, %select_n3A_352 : i32
        %ne3A_354 = arith.constant 0 : i32
        %ne3A_355 = arith.cmpi ne, %rem3A_353, %ne3A_354 : i32
        %lt3A_356 = arith.constant 0 : i32
        %lt3A_357 = arith.cmpi slt, %rem3A_353, %lt3A_356 : i32
        %lt3A_358 = arith.constant 0 : i32
        %lt3A_359 = arith.cmpi slt, %select_n3A_352, %lt3A_358 : i32
        %ne3A_360 = arith.xori %lt3A_357, %lt3A_359 : i1
        %and3A_361 = arith.andi %ne3A_360, %ne3A_355 : i1
        %add3A_362 = arith.addi %rem3A_353, %select_n3A_352 : i32
        %select_n3A_363 = arith.select %and3A_361, %add3A_362, %rem3A_353 : i32
        %dma_start3A_364 = arith.constant 0 : i32
        %dma_start3A_365 = arith.constant 0 : i32
        %dma_start3A_366 = tpu.memref_slice %arg13[%select_n3A_347, %dma_start3A_364, %dma_start3A_365] : memref<6x128x32xf32, #tpu.memory_space<vmem>> -> memref<1x128x32xf32, #tpu.memory_space<vmem>>
        %dma_start3A_367 = tpu.memref_squeeze %dma_start3A_366 : memref<1x128x32xf32, #tpu.memory_space<vmem>> -> memref<128x32xf32, #tpu.memory_space<vmem>>
        %dma_start3A_368 = arith.constant 0 : i32
        %dma_start3A_369 = tpu.memref_slice %arg12[%select_n3A_363, %select_n3A_282, %dma_start3A_368] : memref<4x4x128xi32, #tpu.memory_space<vmem>> -> memref<1x1x128xi32, #tpu.memory_space<vmem>>
        %dma_start3A_370 = tpu.memref_squeeze %dma_start3A_369 : memref<1x1x128xi32, #tpu.memory_space<vmem>> -> memref<128xi32, #tpu.memory_space<vmem>>
        %dma_start3A_371 = arith.constant 0 : i32
        %dma_start3A_372 = arith.constant 0 : i32
        %dma_start3A_373 = tpu.memref_slice %arg10[%dma_start3A_371, %dma_start3A_372] : memref<50176x32xf32, #tpu.memory_space<vmem_shared>> -> memref<50176x32xf32, #tpu.memory_space<vmem_shared>>
        tpu.enqueue_indirect_dma source(%dma_start3A_367 : memref<128x32xf32, #tpu.memory_space<vmem>>) target(%dma_start3A_373 : memref<50176x32xf32, #tpu.memory_space<vmem_shared>>) offsets(%dma_start3A_370 : memref<128xi32, #tpu.memory_space<vmem>>) semaphore(%arg16 : memref<!tpu.dma_semaphore, #tpu.memory_space<semaphore_mem>>) {add = true}
      }
      %scan3A_161 = arith.constant 392 : i32
      %dma_wait3A = arith.constant 0 : i32
      %dma_wait3A_162 = arith.constant 0 : i32
      %dma_wait3A_163 = arith.constant 0 : i32
      %dma_wait3A_164 = tpu.memref_slice %arg13[%dma_wait3A, %dma_wait3A_162, %dma_wait3A_163] : memref<6x128x32xf32, #tpu.memory_space<vmem>> -> memref<1x128x32xf32, #tpu.memory_space<vmem>>
      %dma_wait3A_165 = tpu.memref_squeeze %dma_wait3A_164 : memref<1x128x32xf32, #tpu.memory_space<vmem>> -> memref<128x32xf32, #tpu.memory_space<vmem>>
      %dma_wait3A_166 = arith.constant 0 : i32
      %dma_wait3A_167 = arith.constant 0 : i32
      %dma_wait3A_168 = tpu.memref_slice %arg3[%dma_wait3A_166, %dma_wait3A_167] : memref<50048x32xf32, #tpu.memory_space<hbm>> -> memref<128x32xf32, #tpu.memory_space<hbm>>
      %dma_wait3A_169 = arith.constant 0 : i32
      %dma_wait3A_170 = arith.constant 0 : i32
      %dma_wait3A_171 = tpu.memref_slice %arg13[%dma_wait3A, %dma_wait3A_169, %dma_wait3A_170] : memref<6x128x32xf32, #tpu.memory_space<vmem>> -> memref<1x128x32xf32, #tpu.memory_space<vmem>>
      %dma_wait3A_172 = tpu.memref_squeeze %dma_wait3A_171 : memref<1x128x32xf32, #tpu.memory_space<vmem>> -> memref<128x32xf32, #tpu.memory_space<vmem>>
      %dma_wait3A_173 = arith.constant 0 : i32
      %dma_wait3A_174 = arith.constant 0 : i32
      %dma_wait3A_175 = tpu.memref_slice %arg3[%dma_wait3A_173, %dma_wait3A_174] : memref<50048x32xf32, #tpu.memory_space<hbm>> -> memref<128x32xf32, #tpu.memory_space<hbm>>
      tpu.wait_dma2 semaphore(%arg16 : memref<!tpu.dma_semaphore, #tpu.memory_space<semaphore_mem>>) src(%dma_wait3A_175 : memref<128x32xf32, #tpu.memory_space<hbm>>) dst(%dma_wait3A_172 : memref<128x32xf32, #tpu.memory_space<vmem>>)
      %dma_wait3A_176 = arith.constant 0 : i32
      %dma_wait3A_177 = arith.constant 0 : i32
      %dma_wait3A_178 = arith.constant 0 : i32
      %dma_wait3A_179 = tpu.memref_slice %arg13[%dma_wait3A_176, %dma_wait3A_177, %dma_wait3A_178] : memref<6x128x32xf32, #tpu.memory_space<vmem>> -> memref<1x128x32xf32, #tpu.memory_space<vmem>>
      %dma_wait3A_180 = tpu.memref_squeeze %dma_wait3A_179 : memref<1x128x32xf32, #tpu.memory_space<vmem>> -> memref<128x32xf32, #tpu.memory_space<vmem>>
      %dma_wait3A_181 = arith.constant 0 : i32
      %dma_wait3A_182 = arith.constant 0 : i32
      %dma_wait3A_183 = tpu.memref_slice %arg3[%dma_wait3A_181, %dma_wait3A_182] : memref<50048x32xf32, #tpu.memory_space<hbm>> -> memref<128x32xf32, #tpu.memory_space<hbm>>
      %dma_wait3A_184 = arith.constant 0 : i32
      %dma_wait3A_185 = arith.constant 0 : i32
      %dma_wait3A_186 = tpu.memref_slice %arg13[%dma_wait3A_176, %dma_wait3A_184, %dma_wait3A_185] : memref<6x128x32xf32, #tpu.memory_space<vmem>> -> memref<1x128x32xf32, #tpu.memory_space<vmem>>
      %dma_wait3A_187 = tpu.memref_squeeze %dma_wait3A_186 : memref<1x128x32xf32, #tpu.memory_space<vmem>> -> memref<128x32xf32, #tpu.memory_space<vmem>>
      %dma_wait3A_188 = arith.constant 0 : i32
      %dma_wait3A_189 = arith.constant 0 : i32
      %dma_wait3A_190 = tpu.memref_slice %arg3[%dma_wait3A_188, %dma_wait3A_189] : memref<50048x32xf32, #tpu.memory_space<hbm>> -> memref<128x32xf32, #tpu.memory_space<hbm>>
      tpu.wait_dma2 semaphore(%arg16 : memref<!tpu.dma_semaphore, #tpu.memory_space<semaphore_mem>>) src(%dma_wait3A_190 : memref<128x32xf32, #tpu.memory_space<hbm>>) dst(%dma_wait3A_187 : memref<128x32xf32, #tpu.memory_space<vmem>>)
      %dma_wait3A_191 = arith.constant 0 : i32
      %dma_wait3A_192 = arith.constant 0 : i32
      %dma_wait3A_193 = arith.constant 0 : i32
      %dma_wait3A_194 = tpu.memref_slice %arg13[%dma_wait3A_191, %dma_wait3A_192, %dma_wait3A_193] : memref<6x128x32xf32, #tpu.memory_space<vmem>> -> memref<1x128x32xf32, #tpu.memory_space<vmem>>
      %dma_wait3A_195 = tpu.memref_squeeze %dma_wait3A_194 : memref<1x128x32xf32, #tpu.memory_space<vmem>> -> memref<128x32xf32, #tpu.memory_space<vmem>>
      %dma_wait3A_196 = arith.constant 0 : i32
      %dma_wait3A_197 = arith.constant 0 : i32
      %dma_wait3A_198 = tpu.memref_slice %arg3[%dma_wait3A_196, %dma_wait3A_197] : memref<50048x32xf32, #tpu.memory_space<hbm>> -> memref<128x32xf32, #tpu.memory_space<hbm>>
      %dma_wait3A_199 = arith.constant 0 : i32
      %dma_wait3A_200 = arith.constant 0 : i32
      %dma_wait3A_201 = tpu.memref_slice %arg13[%dma_wait3A_191, %dma_wait3A_199, %dma_wait3A_200] : memref<6x128x32xf32, #tpu.memory_space<vmem>> -> memref<1x128x32xf32, #tpu.memory_space<vmem>>
      %dma_wait3A_202 = tpu.memref_squeeze %dma_wait3A_201 : memref<1x128x32xf32, #tpu.memory_space<vmem>> -> memref<128x32xf32, #tpu.memory_space<vmem>>
      %dma_wait3A_203 = arith.constant 0 : i32
      %dma_wait3A_204 = arith.constant 0 : i32
      %dma_wait3A_205 = tpu.memref_slice %arg3[%dma_wait3A_203, %dma_wait3A_204] : memref<50048x32xf32, #tpu.memory_space<hbm>> -> memref<128x32xf32, #tpu.memory_space<hbm>>
      tpu.wait_dma2 semaphore(%arg16 : memref<!tpu.dma_semaphore, #tpu.memory_space<semaphore_mem>>) src(%dma_wait3A_205 : memref<128x32xf32, #tpu.memory_space<hbm>>) dst(%dma_wait3A_202 : memref<128x32xf32, #tpu.memory_space<vmem>>)
      %dma_wait3A_206 = arith.constant 0 : i32
      %dma_wait3A_207 = arith.constant 0 : i32
      %dma_wait3A_208 = arith.constant 0 : i32
      %dma_wait3A_209 = tpu.memref_slice %arg13[%dma_wait3A_206, %dma_wait3A_207, %dma_wait3A_208] : memref<6x128x32xf32, #tpu.memory_space<vmem>> -> memref<1x128x32xf32, #tpu.memory_space<vmem>>
      %dma_wait3A_210 = tpu.memref_squeeze %dma_wait3A_209 : memref<1x128x32xf32, #tpu.memory_space<vmem>> -> memref<128x32xf32, #tpu.memory_space<vmem>>
      %dma_wait3A_211 = arith.constant 0 : i32
      %dma_wait3A_212 = arith.constant 0 : i32
      %dma_wait3A_213 = tpu.memref_slice %arg3[%dma_wait3A_211, %dma_wait3A_212] : memref<50048x32xf32, #tpu.memory_space<hbm>> -> memref<128x32xf32, #tpu.memory_space<hbm>>
      %dma_wait3A_214 = arith.constant 0 : i32
      %dma_wait3A_215 = arith.constant 0 : i32
      %dma_wait3A_216 = tpu.memref_slice %arg13[%dma_wait3A_206, %dma_wait3A_214, %dma_wait3A_215] : memref<6x128x32xf32, #tpu.memory_space<vmem>> -> memref<1x128x32xf32, #tpu.memory_space<vmem>>
      %dma_wait3A_217 = tpu.memref_squeeze %dma_wait3A_216 : memref<1x128x32xf32, #tpu.memory_space<vmem>> -> memref<128x32xf32, #tpu.memory_space<vmem>>
      %dma_wait3A_218 = arith.constant 0 : i32
      %dma_wait3A_219 = arith.constant 0 : i32
      %dma_wait3A_220 = tpu.memref_slice %arg3[%dma_wait3A_218, %dma_wait3A_219] : memref<50048x32xf32, #tpu.memory_space<hbm>> -> memref<128x32xf32, #tpu.memory_space<hbm>>
      tpu.wait_dma2 semaphore(%arg16 : memref<!tpu.dma_semaphore, #tpu.memory_space<semaphore_mem>>) src(%dma_wait3A_220 : memref<128x32xf32, #tpu.memory_space<hbm>>) dst(%dma_wait3A_217 : memref<128x32xf32, #tpu.memory_space<vmem>>)
      %dma_wait3A_221 = arith.constant 0 : i32
      %dma_wait3A_222 = arith.constant 0 : i32
      %dma_wait3A_223 = arith.constant 0 : i32
      %dma_wait3A_224 = tpu.memref_slice %arg13[%dma_wait3A_221, %dma_wait3A_222, %dma_wait3A_223] : memref<6x128x32xf32, #tpu.memory_space<vmem>> -> memref<1x128x32xf32, #tpu.memory_space<vmem>>
      %dma_wait3A_225 = tpu.memref_squeeze %dma_wait3A_224 : memref<1x128x32xf32, #tpu.memory_space<vmem>> -> memref<128x32xf32, #tpu.memory_space<vmem>>
      %dma_wait3A_226 = arith.constant 0 : i32
      %dma_wait3A_227 = arith.constant 0 : i32
      %dma_wait3A_228 = tpu.memref_slice %arg3[%dma_wait3A_226, %dma_wait3A_227] : memref<50048x32xf32, #tpu.memory_space<hbm>> -> memref<128x32xf32, #tpu.memory_space<hbm>>
      %dma_wait3A_229 = arith.constant 0 : i32
      %dma_wait3A_230 = arith.constant 0 : i32
      %dma_wait3A_231 = tpu.memref_slice %arg13[%dma_wait3A_221, %dma_wait3A_229, %dma_wait3A_230] : memref<6x128x32xf32, #tpu.memory_space<vmem>> -> memref<1x128x32xf32, #tpu.memory_space<vmem>>
      %dma_wait3A_232 = tpu.memref_squeeze %dma_wait3A_231 : memref<1x128x32xf32, #tpu.memory_space<vmem>> -> memref<128x32xf32, #tpu.memory_space<vmem>>
      %dma_wait3A_233 = arith.constant 0 : i32
      %dma_wait3A_234 = arith.constant 0 : i32
      %dma_wait3A_235 = tpu.memref_slice %arg3[%dma_wait3A_233, %dma_wait3A_234] : memref<50048x32xf32, #tpu.memory_space<hbm>> -> memref<128x32xf32, #tpu.memory_space<hbm>>
      tpu.wait_dma2 semaphore(%arg16 : memref<!tpu.dma_semaphore, #tpu.memory_space<semaphore_mem>>) src(%dma_wait3A_235 : memref<128x32xf32, #tpu.memory_space<hbm>>) dst(%dma_wait3A_232 : memref<128x32xf32, #tpu.memory_space<vmem>>)
      %dma_wait3A_236 = arith.constant 0 : i32
      %dma_wait3A_237 = arith.constant 0 : i32
      %dma_wait3A_238 = arith.constant 0 : i32
      %dma_wait3A_239 = tpu.memref_slice %arg13[%dma_wait3A_236, %dma_wait3A_237, %dma_wait3A_238] : memref<6x128x32xf32, #tpu.memory_space<vmem>> -> memref<1x128x32xf32, #tpu.memory_space<vmem>>
      %dma_wait3A_240 = tpu.memref_squeeze %dma_wait3A_239 : memref<1x128x32xf32, #tpu.memory_space<vmem>> -> memref<128x32xf32, #tpu.memory_space<vmem>>
      %dma_wait3A_241 = arith.constant 0 : i32
      %dma_wait3A_242 = arith.constant 0 : i32
      %dma_wait3A_243 = tpu.memref_slice %arg3[%dma_wait3A_241, %dma_wait3A_242] : memref<50048x32xf32, #tpu.memory_space<hbm>> -> memref<128x32xf32, #tpu.memory_space<hbm>>
      %dma_wait3A_244 = arith.constant 0 : i32
      %dma_wait3A_245 = arith.constant 0 : i32
      %dma_wait3A_246 = tpu.memref_slice %arg13[%dma_wait3A_236, %dma_wait3A_244, %dma_wait3A_245] : memref<6x128x32xf32, #tpu.memory_space<vmem>> -> memref<1x128x32xf32, #tpu.memory_space<vmem>>
      %dma_wait3A_247 = tpu.memref_squeeze %dma_wait3A_246 : memref<1x128x32xf32, #tpu.memory_space<vmem>> -> memref<128x32xf32, #tpu.memory_space<vmem>>
      %dma_wait3A_248 = arith.constant 0 : i32
      %dma_wait3A_249 = arith.constant 0 : i32
      %dma_wait3A_250 = tpu.memref_slice %arg3[%dma_wait3A_248, %dma_wait3A_249] : memref<50048x32xf32, #tpu.memory_space<hbm>> -> memref<128x32xf32, #tpu.memory_space<hbm>>
      tpu.wait_dma2 semaphore(%arg16 : memref<!tpu.dma_semaphore, #tpu.memory_space<semaphore_mem>>) src(%dma_wait3A_250 : memref<128x32xf32, #tpu.memory_space<hbm>>) dst(%dma_wait3A_247 : memref<128x32xf32, #tpu.memory_space<vmem>>)
    } else {
    }
    %barrier3A_19 = arith.constant 0 : index
    tpu.barrier barrier_id(%barrier3A_19)
    %eq3A_20 = arith.constant 0 : i32
    %eq3A_21 = arith.cmpi eq, %arg0, %eq3A_20 : i32
    %convert_element_type3A_22 = arith.extui %eq3A_21 : i1 to i32
    %cond3A_23 = arith.constant 0 : i32
    %cond3A_24 = arith.cmpi ne, %convert_element_type3A_22, %cond3A_23 : i32
    scf.if %cond3A_24 {
      %mul3A = arith.constant 3128 : i32
      %mul3A_30 = arith.muli %arg1, %mul3A : i32
      %mul3A_31 = arith.constant 3128 : i32
      %mul3A_32 = arith.muli %arg1, %mul3A_31 : i32
      "tpu.region"() ({
        %run_scoped3A = tpu.sem_alloc : memref<!tpu.dma_semaphore, #tpu.memory_space<semaphore_mem>>
        %dma_start3A = arith.constant 0 : i32
        %dma_start3A_33 = tpu.memref_slice %arg8[%mul3A_32, %dma_start3A] : memref<50048x32xf32, #tpu.memory_space<hbm>> -> memref<3128x32xf32, #tpu.memory_space<hbm>>
        %dma_start3A_34 = arith.constant 0 : i32
        %dma_start3A_35 = tpu.memref_slice %arg10[%mul3A_30, %dma_start3A_34] : memref<50176x32xf32, #tpu.memory_space<vmem_shared>> -> memref<3128x32xf32, #tpu.memory_space<vmem_shared>>
        tpu.enqueue_dma source(%dma_start3A_35 : memref<3128x32xf32, #tpu.memory_space<vmem_shared>>) target(%dma_start3A_33 : memref<3128x32xf32, #tpu.memory_space<hbm>>) target_semaphore(%run_scoped3A : memref<!tpu.dma_semaphore, #tpu.memory_space<semaphore_mem>>)
        %dma_wait3A = arith.constant 0 : i32
        %dma_wait3A_36 = tpu.memref_slice %arg8[%mul3A_32, %dma_wait3A] : memref<50048x32xf32, #tpu.memory_space<hbm>> -> memref<3128x32xf32, #tpu.memory_space<hbm>>
        %dma_wait3A_37 = arith.constant 0 : i32
        %dma_wait3A_38 = tpu.memref_slice %arg10[%mul3A_30, %dma_wait3A_37] : memref<50176x32xf32, #tpu.memory_space<vmem_shared>> -> memref<3128x32xf32, #tpu.memory_space<vmem_shared>>
        tpu.wait_dma2 semaphore(%run_scoped3A : memref<!tpu.dma_semaphore, #tpu.memory_space<semaphore_mem>>) src(%dma_wait3A_38 : memref<3128x32xf32, #tpu.memory_space<vmem_shared>>) dst(%dma_wait3A_36 : memref<3128x32xf32, #tpu.memory_space<hbm>>)
        tpu.yield
      }) : () -> ()
    } else {
    }
    %eq3A_25 = arith.constant 1 : i32
    %eq3A_26 = arith.cmpi eq, %arg0, %eq3A_25 : i32
    %convert_element_type3A_27 = arith.extui %eq3A_26 : i1 to i32
    %cond3A_28 = arith.constant 0 : i32
    %cond3A_29 = arith.cmpi ne, %convert_element_type3A_27, %cond3A_28 : i32
    scf.if %cond3A_29 {
      %mul3A = arith.constant 3128 : i32
      %mul3A_30 = arith.muli %arg1, %mul3A : i32
      %mul3A_31 = arith.constant 3128 : i32
      %mul3A_32 = arith.muli %arg1, %mul3A_31 : i32
      "tpu.region"() ({
        %run_scoped3A = tpu.sem_alloc : memref<!tpu.dma_semaphore, #tpu.memory_space<semaphore_mem>>
        %dma_start3A = arith.constant 0 : i32
        %dma_start3A_33 = tpu.memref_slice %arg9[%mul3A_32, %dma_start3A] : memref<50048x32xf32, #tpu.memory_space<hbm>> -> memref<3128x32xf32, #tpu.memory_space<hbm>>
        %dma_start3A_34 = arith.constant 0 : i32
        %dma_start3A_35 = tpu.memref_slice %arg10[%mul3A_30, %dma_start3A_34] : memref<50176x32xf32, #tpu.memory_space<vmem_shared>> -> memref<3128x32xf32, #tpu.memory_space<vmem_shared>>
        tpu.enqueue_dma source(%dma_start3A_35 : memref<3128x32xf32, #tpu.memory_space<vmem_shared>>) target(%dma_start3A_33 : memref<3128x32xf32, #tpu.memory_space<hbm>>) target_semaphore(%run_scoped3A : memref<!tpu.dma_semaphore, #tpu.memory_space<semaphore_mem>>)
        %dma_wait3A = arith.constant 0 : i32
        %dma_wait3A_36 = tpu.memref_slice %arg9[%mul3A_32, %dma_wait3A] : memref<50048x32xf32, #tpu.memory_space<hbm>> -> memref<3128x32xf32, #tpu.memory_space<hbm>>
        %dma_wait3A_37 = arith.constant 0 : i32
        %dma_wait3A_38 = tpu.memref_slice %arg10[%mul3A_30, %dma_wait3A_37] : memref<50176x32xf32, #tpu.memory_space<vmem_shared>> -> memref<3128x32xf32, #tpu.memory_space<vmem_shared>>
        tpu.wait_dma2 semaphore(%run_scoped3A : memref<!tpu.dma_semaphore, #tpu.memory_space<semaphore_mem>>) src(%dma_wait3A_38 : memref<3128x32xf32, #tpu.memory_space<vmem_shared>>) dst(%dma_wait3A_36 : memref<3128x32xf32, #tpu.memory_space<hbm>>)
        tpu.yield
      }) : () -> ()
    } else {
    }
    return
  }
}

module attributes {stable_mosaic.version = 14 : i64} {
  func.func @_mm_body(%arg0: i32, %arg1: memref<3128x128xf32, #tpu.memory_space<vmem>>, %arg2: memref<3128x128xf32, #tpu.memory_space<vmem>>, %arg3: memref<3128x128xf32, #tpu.memory_space<vmem>>, %arg4: memref<384x384xf32, #tpu.memory_space<vmem>>, %arg5: memref<3128x128xf32, #tpu.memory_space<vmem>>, %arg6: memref<3128x128xf32, #tpu.memory_space<vmem>>, %arg7: memref<3128x128xf32, #tpu.memory_space<vmem>>) attributes {dimension_semantics = [#tpu.dimension_semantics<arbitrary>], iteration_bounds = array<i64: 4>, scalar_prefetch = 0 : i64, scratch_operands = 0 : i64, tpu.core_type = #tpu.core_type<tc>, window_params = [{transform_indices = @transform_0, window_bounds = array<i64: 3128, 128>}, {transform_indices = @transform_1, window_bounds = array<i64: 3128, 128>}, {transform_indices = @transform_2, window_bounds = array<i64: 3128, 128>}, {pipeline_mode = #tpu.pipeline_mode<synchronous>, transform_indices = @transform_3, window_bounds = array<i64: 384, 384>}, {transform_indices = @transform_4, window_bounds = array<i64: 3128, 128>}, {transform_indices = @transform_5, window_bounds = array<i64: 3128, 128>}, {transform_indices = @transform_6, window_bounds = array<i64: 3128, 128>}]} {
    %get3A = arith.constant 0 : index
    %get3A_0 = arith.constant 0 : index
    %get3A_1 = vector.load %arg1[%get3A, %get3A_0] : memref<3128x128xf32, #tpu.memory_space<vmem>>, vector<3128x128xf32>
    %get3A_2 = arith.constant 0 : index
    %get3A_3 = arith.constant 0 : index
    %get3A_4 = vector.load %arg2[%get3A_2, %get3A_3] : memref<3128x128xf32, #tpu.memory_space<vmem>>, vector<3128x128xf32>
    %get3A_5 = arith.constant 0 : index
    %get3A_6 = arith.constant 0 : index
    %get3A_7 = vector.load %arg3[%get3A_5, %get3A_6] : memref<3128x128xf32, #tpu.memory_space<vmem>>, vector<3128x128xf32>
    %concatenate3A = tpu.concatenate %get3A_1, %get3A_4, %get3A_7 in 1 : vector<3128x128xf32>, vector<3128x128xf32>, vector<3128x128xf32> -> vector<3128x384xf32>
    %get3A_8 = arith.constant 0 : index
    %get3A_9 = arith.constant 0 : index
    %get3A_10 = vector.load %arg4[%get3A_8, %get3A_9] : memref<384x384xf32, #tpu.memory_space<vmem>>, vector<384x384xf32>
    %dot_general3A = arith.constant dense<0.000000e+00> : vector<3128x384xf32>
    %dot_general3A_11 = tpu.matmul %concatenate3A, %get3A_10, %dot_general3A {dimension_numbers = #tpu.dot_dimension_numbers<[1], [0], [0], [1], [0, 0, 1, 1], [], []>, transpose_lhs_hint = false} : vector<3128x384xf32>, vector<384x384xf32>, vector<3128x384xf32> -> vector<3128x384xf32>
    %slice3A = vector.extract_strided_slice %dot_general3A_11 {offsets = [0, 0], sizes = [3128, 128], strides = [1, 1]} : vector<3128x384xf32> to vector<3128x128xf32>
    %swap3A = arith.constant 0 : index
    %swap3A_12 = arith.constant 0 : index
    %swap3A_13 = vector.load %arg5[%swap3A, %swap3A_12] : memref<3128x128xf32, #tpu.memory_space<vmem>>, vector<3128x128xf32>
    tpu.vector_store %arg5[%swap3A, %swap3A_12], %slice3A {strides = array<i32>} : memref<3128x128xf32, #tpu.memory_space<vmem>>, vector<3128x128xf32>,
    %slice3A_14 = vector.extract_strided_slice %dot_general3A_11 {offsets = [0, 128], sizes = [3128, 128], strides = [1, 1]} : vector<3128x384xf32> to vector<3128x128xf32>
    %swap3A_15 = arith.constant 0 : index
    %swap3A_16 = arith.constant 0 : index
    %swap3A_17 = vector.load %arg6[%swap3A_15, %swap3A_16] : memref<3128x128xf32, #tpu.memory_space<vmem>>, vector<3128x128xf32>
    tpu.vector_store %arg6[%swap3A_15, %swap3A_16], %slice3A_14 {strides = array<i32>} : memref<3128x128xf32, #tpu.memory_space<vmem>>, vector<3128x128xf32>,
    %slice3A_18 = vector.extract_strided_slice %dot_general3A_11 {offsets = [0, 256], sizes = [3128, 128], strides = [1, 1]} : vector<3128x384xf32> to vector<3128x128xf32>
    %swap3A_19 = arith.constant 0 : index
    %swap3A_20 = arith.constant 0 : index
    %swap3A_21 = vector.load %arg7[%swap3A_19, %swap3A_20] : memref<3128x128xf32, #tpu.memory_space<vmem>>, vector<3128x128xf32>
    tpu.vector_store %arg7[%swap3A_19, %swap3A_20], %slice3A_18 {strides = array<i32>} : memref<3128x128xf32, #tpu.memory_space<vmem>>, vector<3128x128xf32>,
    return
  }
  func.func @transform_0(%arg0: i32) -> (i32, i32) {
    %c0_i32 = arith.constant 0 : i32
    %c0_i32_0 = arith.constant 0 : i32
    return %arg0, %c0_i32 : i32, i32
  }
  func.func @transform_1(%arg0: i32) -> (i32, i32) {
    %c0_i32 = arith.constant 0 : i32
    %c0_i32_0 = arith.constant 0 : i32
    return %arg0, %c0_i32 : i32, i32
  }
  func.func @transform_2(%arg0: i32) -> (i32, i32) {
    %c0_i32 = arith.constant 0 : i32
    %c0_i32_0 = arith.constant 0 : i32
    return %arg0, %c0_i32 : i32, i32
  }
  func.func @transform_3(%arg0: i32) -> (i32, i32) {
    %c0_i32 = arith.constant 0 : i32
    %c0_i32_0 = arith.constant 0 : i32
    %c0_i32_1 = arith.constant 0 : i32
    return %c0_i32, %c0_i32_0 : i32, i32
  }
  func.func @transform_4(%arg0: i32) -> (i32, i32) {
    %c0_i32 = arith.constant 0 : i32
    %c0_i32_0 = arith.constant 0 : i32
    return %arg0, %c0_i32 : i32, i32
  }
  func.func @transform_5(%arg0: i32) -> (i32, i32) {
    %c0_i32 = arith.constant 0 : i32
    %c0_i32_0 = arith.constant 0 : i32
    return %arg0, %c0_i32 : i32, i32
  }
  func.func @transform_6(%arg0: i32) -> (i32, i32) {
    %c0_i32 = arith.constant 0 : i32
    %c0_i32_0 = arith.constant 0 : i32
    return %arg0, %c0_i32 : i32, i32
  }
}

</mosaic_0001>

<sc_bundles>
// kernel: body.8.cloned.1.call-start
scs
__scs_entry_jumppad:
0x0: {  	(pc) =	sbr.rel $0x88, $3  }
0x1: {  	(tag) =	ssettag $0x0;
	lr =	simm.s32 $0x1  }
0x2: {  	[smem:$0x3F9A] =	sst lr;
	_ =	strace $0xD0000000  }
0x3: {  	_ = 	snop  }
0x4: {  	_ = 	snop  }
0x5: {  	_ = 	snop  }
0x6: {  	_ = 	snop  }
0x7: {  	_ = 	snop  }
__scs_overlays_trampoline_lowered:
0x8: {  	[smem:$0x3FA9] =	sst s0  }
0x9: {  	[smem:$0x3FAA] =	sst s1  }
0xa: {  	[smem:$0x3FAB] =	sst s2  }
0xb: {  	[smem:$0x3FAC] =	sst s3  }
0xc: {  	[smem:$0x3FAD] =	sst s4  }
0xd: {  	[smem:$0x3FAE] =	sst s5  }
0xe: {  	[smem:$0x3FAF] =	sst s6  }
0xf: {  	[smem:$0x3FB0] =	sst s7  }
0x10: {  	[smem:$0x3FB1] =	sst s8  }
0x11: {  	[smem:$0x3FB2] =	sst s9;
	s0 =	simm.s32 @!p0 $0x0  }
0x12: {  	s1 =	sld [smem:$0x3F98];
	s0 =	simm.s32 @p0 $0x1  }
0x13: {  	[smem:$0x3FB3] =	sst s0;
	s0 =	simm.s32 @!p1 $0x0  }
0x14: {  	s2 =	sld [smem:$0x3F97];
	s0 =	simm.s32 @p1 $0x1  }
0x15: {  	[smem:$0x3FB4] =	sst s0;
	s0 =	simm.s32 @!p2 $0x0  }
0x16: {  	s3 =	sld [smem:$0x3FDB];
	s0 =	simm.s32 @p2 $0x1  }
0x17: {  	s4 =	simm.s32 $0x1BF5;
	[smem:$0x3FB6] =	sst s0  }
0x18: {  	s0 =	sld [smem:$0x3F99];
	_ =	swait.ge [sflag:s4], $0x0  }
0x19: {  	s7 =	sld [smem:$0x3F9A]  }
0x1a: {  	s8 =	sadd.s32 $0xFFFFE003, lr  }
0x1b: {  	s9 =	sadd.s32 $0xFFFFFEF7, lr;
	s5 =	simm.s32 $0xFFFFFFFF;
	p2 =	slt.u32 s8, $0xFFFFF086  }
0x1c: {  	p1 =	slt.u32 s9, $0xF7A;
	s5 =	simm.s32 @!p2 $0x0  }
0x1d: {  	s5 =	simm.s32 @p1 $0x1;
	p0 =	seq.s32 s7, s2  }
0x1e: {  	s7 =	smul.u32 @!p0 $0xF7A, s2;
	p2 =	seq.s32 @!p0 s5, $0x0  }
0x1f: {  	s9 =	smul.u32 $0xF7A, s1;
	s8 =	simm.s32 @!p0 $0x1BF5;
	p2 =	por !p2, p0  }
0x20: {  	[sflag:s8] =	ssyncset.s32 @!p0 $0xFFFFF086;
	s6 =	sadd.s32 @!p0 s3, s7;
	s7 =	simm.s32 @!p0 $0x108  }
0x21: {  	s3 =	sadd.s32 s3, s9;
	s6 =	sadd.s32 @!p0 $0x88, s6;
	s7 =	simm.s32 @p2 $0x1082  }
0x22: {  	[simem:s7], [sflag:s8] =	dma.local @!p0 [hbm:s6], $0xF7A  }
0x23: {  	s9 =	sor.u32 $0xD0000000, s2;
	s6 =	simm.s32 $0x108;
	_ =	swait.ge @!p0 [sflag:s8], $0x0  }
0x24: {  	s3 =	sadd.s32 $0x88, s3;
	s6 =	simm.s32 @!p1 $0x1082;
	[sflag:s4] =	ssyncset.s32 $0xFFFFF086  }
0x25: {  	[simem:s6], [sflag:s4] =	dma.local [hbm:s3], $0xF7A  }
0x26: {  	[smem:$0x3F9A] =	sst s1;
	(tag) =	ssettag s2;
	_ =	strace s9  }
0x27: {  	s1 =	sld [smem:$0x3FAA]  }
0x28: {  	s2 =	sld [smem:$0x3FAB]  }
0x29: {  	s4 =	sld [smem:$0x3FAD]  }
0x2a: {  	p0 =	seq.s32 s5, $0x0;
	s5 =	sld [smem:$0x3FAE]  }
0x2b: {  	s6 =	sld [smem:$0x3FAF]  }
0x2c: {  	s7 =	sld [smem:$0x3FB0]  }
0x2d: {  	s3 =	simm.s32 $0x108;
	s8 =	sld [smem:$0x3FB1]  }
0x2e: {  	s3 =	simm.s32 @!p0 $0x1082;
	s9 =	sld [smem:$0x3FB2]  }
0x2f: {  	lr =	sadd.s32 s0, s3;
	s0 =	sld [smem:$0x3FA9]  }
0x30: {  	s3 =	sld [smem:$0x3FAC]  }
0x31: {  	[smem:$0x3FB5] =	sst s10  }
0x32: {  	s10 =	sld [smem:$0x3FB3];
	_ =	sdelay $0x3  }
0x33: {  	p0 =	seq.s32 s10, $0x1;
	s10 =	sld [smem:$0x3FB5];
	_ =	sdelay $0x3  }
0x34: {  	[smem:$0x3FB5] =	sst s10  }
0x35: {  	s10 =	sld [smem:$0x3FB4];
	_ =	sdelay $0x3  }
0x36: {  	p1 =	seq.s32 s10, $0x1;
	s10 =	sld [smem:$0x3FB5];
	_ =	sdelay $0x3  }
0x37: {  	[smem:$0x3FB5] =	sst s10  }
0x38: {  	s10 =	sld [smem:$0x3FB6]  }
0x39: {  	_ = 	snop;
	(pc) =	sbr.ind lr, $3  }
0x3a: {  	_ = 	snop  }
0x3b: {  	_ = 	snop  }
0x3c: {  	p2 =	seq.s32 s10, $0x1;
	s10 =	sld [smem:$0x3FB5]  }
0x3d: {  	_ =	shalt  }
0x3e: {  	_ =	shalt  }
0x3f: {  	_ =	shalt  }
0x40: {  	_ =	shalt  }
0x41: {  	_ =	shalt  }
0x42: {  	_ =	shalt  }
0x43: {  	_ =	shalt  }
0x44: {  	_ =	shalt  }
0x45: {  	_ =	shalt  }
0x46: {  	_ =	shalt  }
0x47: {  	_ =	shalt  }
0x48: {  	_ =	shalt  }
0x49: {  	_ =	shalt  }
0x4a: {  	_ =	shalt  }
0x4b: {  	_ =	shalt  }
0x4c: {  	_ =	shalt  }
0x4d: {  	_ =	shalt  }
0x4e: {  	_ =	shalt  }
0x4f: {  	_ =	shalt  }
0x50: {  	_ =	shalt  }
0x51: {  	_ =	shalt  }
0x52: {  	_ =	shalt  }
0x53: {  	_ =	shalt  }
0x54: {  	_ =	shalt  }
0x55: {  	_ =	shalt  }
0x56: {  	_ =	shalt  }
0x57: {  	_ =	shalt  }
0x58: {  	_ =	shalt  }
0x59: {  	_ =	shalt  }
0x5a: {  	_ =	shalt  }
0x5b: {  	_ =	shalt  }
0x5c: {  	_ =	shalt  }
0x5d: {  	_ =	shalt  }
0x5e: {  	_ =	shalt  }
0x5f: {  	_ =	shalt  }
0x60: {  	_ =	shalt  }
0x61: {  	_ =	shalt  }
0x62: {  	_ =	shalt  }
0x63: {  	_ =	shalt  }
0x64: {  	_ =	shalt  }
0x65: {  	_ =	shalt  }
0x66: {  	_ =	shalt  }
0x67: {  	_ =	shalt  }
0x68: {  	_ =	shalt  }
0x69: {  	_ =	shalt  }
0x6a: {  	_ =	shalt  }
0x6b: {  	_ =	shalt  }
0x6c: {  	_ =	shalt  }
0x6d: {  	_ =	shalt  }
0x6e: {  	_ =	shalt  }
0x6f: {  	_ =	shalt  }
0x70: {  	_ =	shalt  }
0x71: {  	_ =	shalt  }
0x72: {  	_ =	shalt  }
0x73: {  	_ =	shalt  }
0x74: {  	_ =	shalt  }
0x75: {  	_ =	shalt  }
0x76: {  	_ =	shalt  }
0x77: {  	_ =	shalt  }
0x78: {  	_ =	shalt  }
0x79: {  	_ =	shalt  }
0x7a: {  	_ =	shalt  }
0x7b: {  	_ =	shalt  }
0x7c: {  	_ =	shalt  }
0x7d: {  	_ =	shalt  }
0x7e: {  	_ =	shalt  }
0x7f: {  	_ =	shalt  }
0x80: {  	_ =	shalt  }
0x81: {  	_ =	shalt  }
0x82: {  	_ =	shalt  }
0x83: {  	_ =	shalt  }
0x84: {  	_ =	shalt  }
0x85: {  	_ =	shalt  }
0x86: {  	_ =	shalt  }
0x87: {  	_ =	shalt  }
.Lfunc_end0:
.L_simem_size_0:
called_computation_lowered:
.L_overlay_start_0:
0x88: {  	s2 =	sld [smem:$0x3FD9]  }
0x89: {  	s3 =	sld [smem:$0x3FFE];
	_ =	sdelay $0x1  }
0x8a: {  	s1 =	srdreg.scid  }
0x8b: {  	s0 =	sand.u32 $0x1, s1  }
0x8c: {  	s17 =	sshll.u32 s0, $0xA;
	s2 =	sadd.s32 s3, s2  }
0x8d: {  	s2 =	sadd.s32 s2, s17  }
0x8e: {  	[smem:$0x3FC1] =	sst s2  }
0x8f: {  	_ = 	snop  }
0x90: {  	s2 =	sld [smem:$0x3FD0];
	(tm) =	ssettm $0x1  }
0x91: {  	s18 =	sld [smem:$0x3FFB];
	_ =	sdelay $0x3  }
0x92: {  	_ =	strace s18  }
0x93: {  	s3 =	sld [smem:$0x3FFC];
	_ =	sdelay $0x3  }
0x94: {  	_ =	strace s3  }
0x95: {  	s3 =	sld [smem:$0x3FFD];
	_ =	sdelay $0x3  }
0x96: {  	_ =	strace s3  }
0x97: {  	_ =	strace $0x8FFFFFFF  }
0x98: {  	s19 =	sld [smem:$0x3FDB];
	_ =	sdelay $0x1  }
0x99: {  	s4 =	simm.s32 $_scs_section_size  }
0x9a: {  	s5 =	simm.s32 $_size__tile_overlayer_lowered;
	s6 =	simm.s32 $_tile_overlayer_lowered  }
0x9b: {  	s22 =	simm.s32 $0x1BFF;
	s21 =	sshll.u32 s6, $0x1;
	s3 =	sadd.s32 s4, s19  }
0x9c: {  	s7 =	simm.s32 $0x0;
	s20 =	sshll.u32 s5, $0x1;
	s5 =	sadd.s32 s21, s3  }
0x9d: {  	[timem:s7], [sflag:s22] =	dma.local [hbm:s5], s20  }
0x9e: {  	_ =	swait.ge [sflag:s22], s20  }
0x9f: {  	s4 =	ssub.s32 $0x0, s20;
	[sflag:s22] =	ssyncset.done $0x0  }
0xa0: {  	[sflag:s22] =	ssyncadd.s32 s4;
	_ =	sdelay $0x1  }
0xa1: {  	s23 =	simm.s32 $0x1B8B  }
0xa2: {  	_ =	swait.ge [sflag:s23], $0x1  }
0xa3: {  	[sflag:s23] =	ssyncset.done $0x0  }
0xa4: {  	s25 =	simm.s32 $0x1B8E;
	s24 =	sld [smem:$0x3FFE];
	[sflag:s23] =	ssyncadd.s32 $0xFFFFFFFF  }
0xa5: {  	s26 =	simm.s32 $execute0_lowered;
	[smem:$0x3FD2] =	sst s25  }
0xa6: {  	s5 =	sshll.u32 s26, $0x1;
	_ =	strace $0x80000046;
	[dreg:$0x1] =	wrdreg $0xFFFFFFFF  }
0xa7: {  	s28 =	simm.s32 $_size_execute0_lowered;
	s3 =	sadd.s32 s3, s5;
	[dreg:$0x0] =	wrdreg $0x0  }
0xa8: {  	s5 =	sshll.u32 s28, $0x1;
	[dreg:$0x2] =	wrdreg s3  }
0xa9: {  	[dreg:$0x3] =	wrdreg s5  }
0xaa: {  	[dreg:$0x4] =	wrdreg $0xC0  }
0xab: {  	_ =	task [dreg:s7], $0x5FFFF  }
0xac: {  	[dreg:$0x1] =	wrdreg $0xFFFFFFFF  }
0xad: {  	[dreg:$0x0] =	wrdreg $0x60  }
0xae: {  	[dreg:$0x2] =	wrdreg s24  }
0xaf: {  	[dreg:$0x3] =	wrdreg s2  }
0xb0: {  	[dreg:$0x4] =	wrdreg $0x0  }
0xb1: {  	[dreg:$0x5] =	wrdreg $0x9  }
0xb2: {  	_ =	task.clear_ibuf [dreg:s7], $0x6FFFF;
	_ =	strace $0x90000046  }
0xb3: {  	s29 =	simm.s32 $0x9;
	_ =	strace $0x80000048  }
0xb4: {  	_ =	swait.ge [sflag:s29], $0x1  }
0xb5: {  	[sflag:s29] =	ssyncadd.s32 $0xFFFFFFFF  }
0xb6: {  	_ =	strace $0x90000048  }
0xb7: {  	_ =	sfence  }
0xb8: {  	s30 =	sld [smem:$0x0];
	_ =	sdelay $0x2  }
0xb9: {  	s31 =	sshll.u32 s1, $0xD;
	s1 =	sshrl.u32 s1, $0x2  }
0xba: {  	s3 =	sand.u32 $0x4000, s31;
	s1 =	sadd.s32 s1, s30  }
0xbb: {  	s0 =	sor.u32 s3, s0;
	s1 =	sshll.u32 s1, $0x11  }
0xbc: {  	s0 =	sor.u32 s1, s0  }
0xbd: {  	s0 =	sadd.s32 $0x8F2B, s0  }
0xbe: {  	[sflag:s0] =	ssyncadd.remote.s32 $0x1  }
0xbf: {  	_ =	sfence.sel $0xFFFF  }
0xc0: {  	[dreg:$0x0] =	wrdreg $0xFFFFFFFF;
	(pc) =	sbr.abs _section_cstart, $3  }
0xc1: {  	[dreg:$0x1] =	wrdreg $0xFFFFFFFF  }
0xc2: {  	_ =	task.clear_ibuf [dreg:s7], $0x2FFFF;
	_ =	strace $0x9FFFFFFF  }
0xc3: {  	(tm) =	ssettm $0x7FFFFFFF  }
tec
execute0_lowered:
.L_overlay_start_1:
0x0: {  	(tag) =	ssettag $0x1  }
0x1: {  	s0 =	rddreg [dreg:$0x0]  }
0x2: {  	s2 =	rddreg [dreg:$0x2];
	s3 =	simm.s32 $0x0;
	s1 =	srdreg.scid  }
0x3: {  	s7 =	stileid.u32;
	[smem:$0x7FF] =	sst s3;
	s5 =	sadd.s32 $0xF7800, s0  }
0x4: {  	s6 =	sadd.s32 $0x128600, s0;
	s15 =	sadd.s32 $0x3200, s0;
	s16 =	sadd.s32 $0x1BA00, s0  }
0x5: {  	s1 =	sand.u32 $0x1, s1;
	s4 =	smul.u32 $0x62000, s7;
	s8 =	sadd.s32 $0x34200, s0  }
0x6: {  	s9 =	sadd.s32 $0x4CA00, s0;
	s13 =	smul.u32 $0x1880, s7;
	s10 =	sadd.s32 $0xC6A00, s0  }
0x7: {  	s25 =	sadd.s32 $0x4CA10, s0;
	s26 =	smul.u32 $0x18700, s7;
	s31 =	sadd.s32 $0x4CA20, s0  }
0x8: {  	s18 =	sadd.s32 $0x4CA30, s0;
	_ =	strace $0x80000047;
	[dreg:$0x4] =	wrdreg s10  }
0x9: {  	s20 =	sadd.s32 $0x1BA10, s0;
	[dreg:$0x8] =	wrdreg s25;
	s24 =	sadd.s32 s8, s13  }
0xa: {  	s21 =	sadd.s32 $0x1BA20, s0;
	s10 =	sadd.s32 s13, s25;
	[dreg:$0x5] =	wrdreg s24  }
0xb: {  	s11 =	ssub.s32 $0x2, s1;
	s14 =	sshrl.u32 s26, $0x3;
	[dreg:$0x7] =	wrdreg s10  }
0xc: {  	p0 =	sne.s32 s1, $0x0;
	s1 =	sadd.s32 s13, s31;
	[dreg:$0x9] =	wrdreg s14  }
0xd: {  	s22 =	sadd.s32 $0x1BA30, s0;
	s23 =	sadd.s32 s13, s20;
	[dreg:$0xa] =	wrdreg s1  }
0xe: {  	s12 =	sshrl.u32 s11, $0x1;
	s25 =	sadd.s32 s13, s22;
	[dreg:$0xe] =	wrdreg s23  }
0xf: {  	s4 =	sshrl.u32 s4, $0x2;
	s19 =	sadd.s32 s9, s13;
	[dreg:$0x10] =	wrdreg s25  }
0x10: {  	s0 =	sor.u32 $0x40, s13;
	s10 =	sadd.s32 s13, s18;
	[dreg:$0x6] =	wrdreg s19  }
0x11: {  	s11 =	ssub.s32 s11, s12;
	s14 =	sadd.s32 s15, s13;
	[dreg:$0xb] =	wrdreg s10  }
0x12: {  	s12 =	sadd.s32 s4, s2;
	s24 =	sadd.s32 s13, s21;
	[dreg:$0xc] =	wrdreg s14  }
0x13: {  	s4 =	sadd.s32 s26, s2;
	s26 =	sadd.s32 s9, s0;
	[dreg:$0xf] =	wrdreg s24  }
0x14: {  	s17 =	smov.u32 s31;
	s31 =	sadd.s32 s15, s0;
	[dreg:$0x12] =	wrdreg s26  }
0x15: {  	s1 =	sadd.s32 s16, s13;
	[dreg:$0x13] =	wrdreg s31  }
0x16: {  	s10 =	smov.u32 s8;
	s8 =	sadd.s32 s8, s0;
	[dreg:$0xd] =	wrdreg s1  }
0x17: {  	s28 =	simm.s32 $0x80;
	s0 =	sadd.s32 s16, s0;
	[dreg:$0x11] =	wrdreg s8  }
0x18: {  	s29 =	simm.s32 $0x3;
	s11 =	smax.u32 s11, $0x1;
	[dreg:$0x14] =	wrdreg s0  }
0x19: {  	s14 =	smov.u32 s9;
	s13 =	sshrl.u32 s4, $0x3;
	[dreg:$0x15] =	wrdreg s11  }
0x1a: {  	s9 =	smov.u32 s16;
	s16 =	sadd.s32 $0x60, s19;
	[dreg:$0x16] =	wrdreg s13  }
0x1b: {  	s30 =	simm.s32 $0x2;
	s24 =	sadd.s32 $0x70, s19;
	[dreg:$0x18] =	wrdreg s16  }
.Ltmp0:
0x1c: {  	s25 =	sadd.s32 $0x50, s1;
	[dreg:$0x19] =	wrdreg s24;
	(pc) =	sbr.rel .LBB2_1-.Ltmp0, $4  }
0x1d: {  	s23 =	smul.u32 $0x62, s7;
	s26 =	sadd.s32 $0x60, s1;
	[dreg:$0x1a] =	wrdreg s25  }
0x1e: {  	s31 =	sadd.s32 $0x70, s1;
	s1 =	simm.s32 $0x4;
	[dreg:$0x1b] =	wrdreg s26  }
0x1f: {  	s8 =	smov.u32 s15;
	s15 =	sadd.s32 $0x50, s19;
	[dreg:$0x1c] =	wrdreg s31  }
0x20: {  	v0 =	vimm.f32 $0.0e+00;
	s0 =	simm.s32 $0x1F800;
	s24 =	simm.s32 $0x1;
	[dreg:$0x17] =	wrdreg s15  }
.LBB2_23:
0x21: {  	s4 =	rddreg [dreg:$0x4]  }
.LBB2_24:
0x22: {  	_ =	swait.ge [sflag:s30], $0x1000  }
0x23: {  	[sflag:s30] =	ssyncset.done $0x0  }
0x24: {  	[sflag:s30] =	ssyncadd.s32 $0xFFFFF000  }
0x25: {  	_ =	swait.ge [sflag:s30], $0x1000  }
0x26: {  	[sflag:s30] =	ssyncset.done $0x0  }
0x27: {  	[sflag:s30] =	ssyncadd.s32 $0xFFFFF000  }
0x28: {  	_ =	swait.ge [sflag:s30], $0x1000  }
0x29: {  	[sflag:s30] =	ssyncset.done $0x0  }
0x2a: {  	[sflag:s30] =	ssyncadd.s32 $0xFFFFF000  }
0x2b: {  	_ =	swait.ge [sflag:s30], $0x1000  }
0x2c: {  	[sflag:s30] =	ssyncset.done $0x0  }
0x2d: {  	[sflag:s30] =	ssyncadd.s32 $0xFFFFF000  }
0x2e: {  	_ =	swait.ge [sflag:s30], $0x1000  }
0x2f: {  	[sflag:s30] =	ssyncset.done $0x0  }
0x30: {  	[sflag:s30] =	ssyncadd.s32 $0xFFFFF000  }
0x31: {  	_ =	swait.ge [sflag:s30], $0x1000  }
0x32: {  	[sflag:s30] =	ssyncset.done $0x0  }
0x33: {  	s7 =	stileid.u32;
	[sflag:s30] =	ssyncadd.s32 $0xFFFFF000  }
0x34: {  	s7 =	sshll.u32 s7, $0x6;
	s11 =	rddreg [dreg:$0x9];
	[bflag:$0x0] =	sbarrier.arrive $0xFFFF  }
0x35: {  	s7 =	sor.u32 $0x1C04, s7;
	s4 =	sadd.s32 s4, s11;
	s26 =	rddreg [dreg:$0x16]  }
0x36: {  	[hbm:s4], [sflag:s7] =	dma.local [spmem:s26], $0x30E0  }
0x37: {  	_ =	swait.ge [sflag:s1], $0x30E0  }
0x38: {  	s3 =	sadd.s32 $0x1, s3;
	s31 =	rddreg [dreg:$0x15]  }
0x39: {  	p1 =	sne.s32 s3, s31  }
.Ltmp1:
0x3a: {  	_ = 	snop;
	(pc) =	sbr.rel @!p1 .LBB2_25-.Ltmp1, $3  }
0x3b: {  	_ =	sdelay $0x1  }
0x3c: {  	[sflag:s1] =	ssyncset.done $0x0  }
0x3d: {  	[sflag:s1] =	ssyncadd.s32 $0xFFFFCF20  }
.LBB2_1:
0x3e: {  	[tilespmem:$0x1F800] =	vst v0  }
0x3f: {  	[tilespmem:$0x1F810] =	vst v0  }
0x40: {  	[tilespmem:$0x1F820] =	vst v0  }
0x41: {  	[tilespmem:$0x1F830] =	vst v0  }
0x42: {  	[tilespmem:$0x1F840] =	vst v0  }
0x43: {  	[tilespmem:$0x1F850] =	vst v0  }
0x44: {  	[tilespmem:$0x1F860] =	vst v0  }
0x45: {  	[tilespmem:$0x1F870] =	vst v0  }
0x46: {  	[tilespmem:$0x1F880] =	vst v0  }
0x47: {  	[tilespmem:$0x1F890] =	vst v0  }
0x48: {  	[tilespmem:$0x1F8A0] =	vst v0  }
0x49: {  	[tilespmem:$0x1F8B0] =	vst v0  }
0x4a: {  	[tilespmem:$0x1F8C0] =	vst v0  }
0x4b: {  	[tilespmem:$0x1F8D0] =	vst v0  }
0x4c: {  	[tilespmem:$0x1F8E0] =	vst v0  }
0x4d: {  	[tilespmem:$0x1F8F0] =	vst v0  }
0x4e: {  	[tilespmem:$0x1F900] =	vst v0  }
0x4f: {  	[tilespmem:$0x1F910] =	vst v0  }
0x50: {  	[tilespmem:$0x1F920] =	vst v0  }
0x51: {  	[tilespmem:$0x1F930] =	vst v0  }
0x52: {  	[tilespmem:$0x1F940] =	vst v0  }
0x53: {  	[tilespmem:$0x1F950] =	vst v0  }
0x54: {  	[tilespmem:$0x1F960] =	vst v0  }
0x55: {  	[tilespmem:$0x1F970] =	vst v0  }
0x56: {  	[tilespmem:$0x1F980] =	vst v0  }
0x57: {  	[tilespmem:$0x1F990] =	vst v0  }
0x58: {  	[tilespmem:$0x1F9A0] =	vst v0  }
0x59: {  	[tilespmem:$0x1F9B0] =	vst v0  }
0x5a: {  	[tilespmem:$0x1F9C0] =	vst v0  }
0x5b: {  	[tilespmem:$0x1F9D0] =	vst v0  }
0x5c: {  	[tilespmem:$0x1F9E0] =	vst v0  }
0x5d: {  	[tilespmem:$0x1F9F0] =	vst v0  }
0x5e: {  	[tilespmem:$0x1FA00] =	vst v0  }
0x5f: {  	[tilespmem:$0x1FA10] =	vst v0  }
0x60: {  	[tilespmem:$0x1FA20] =	vst v0  }
0x61: {  	[tilespmem:$0x1FA30] =	vst v0  }
0x62: {  	[tilespmem:$0x1FA40] =	vst v0  }
0x63: {  	[tilespmem:$0x1FA50] =	vst v0  }
0x64: {  	[tilespmem:$0x1FA60] =	vst v0  }
0x65: {  	[tilespmem:$0x1FA70] =	vst v0  }
0x66: {  	[tilespmem:$0x1FA80] =	vst v0  }
0x67: {  	[tilespmem:$0x1FA90] =	vst v0  }
0x68: {  	[tilespmem:$0x1FAA0] =	vst v0  }
0x69: {  	[tilespmem:$0x1FAB0] =	vst v0  }
0x6a: {  	[tilespmem:$0x1FAC0] =	vst v0  }
0x6b: {  	[tilespmem:$0x1FAD0] =	vst v0  }
0x6c: {  	[tilespmem:$0x1FAE0] =	vst v0  }
0x6d: {  	[tilespmem:$0x1FAF0] =	vst v0  }
0x6e: {  	[tilespmem:$0x1FB00] =	vst v0  }
0x6f: {  	[tilespmem:$0x1FB10] =	vst v0  }
0x70: {  	[tilespmem:$0x1FB20] =	vst v0  }
0x71: {  	[tilespmem:$0x1FB30] =	vst v0  }
0x72: {  	[tilespmem:$0x1FB40] =	vst v0  }
0x73: {  	[tilespmem:$0x1FB50] =	vst v0  }
0x74: {  	[tilespmem:$0x1FB60] =	vst v0  }
0x75: {  	[tilespmem:$0x1FB70] =	vst v0  }
0x76: {  	[tilespmem:$0x1FB80] =	vst v0  }
0x77: {  	[tilespmem:$0x1FB90] =	vst v0  }
0x78: {  	[tilespmem:$0x1FBA0] =	vst v0  }
0x79: {  	[tilespmem:$0x1FBB0] =	vst v0  }
0x7a: {  	[tilespmem:$0x1FBC0] =	vst v0  }
0x7b: {  	[tilespmem:$0x1FBD0] =	vst v0  }
0x7c: {  	[tilespmem:$0x1FBE0] =	vst v0  }
0x7d: {  	[tilespmem:$0x1FBF0] =	vst v0;
	s4 =	sadd.s32 $0x0, s12  }
0x7e: {  	[spmem:s4] =	stream.linear.scatter [tilespmem:s0], [sflag:$0x4], $0x400, $0x38;
	[tilespmem:$0x1FC00] =	vst v63  }
0x7f: {  	s4 =	simm.s32 $0x1000;
	_ =	swait.ge [sflag:s1], $0x400  }
.LBB2_2:
0x80: {  	s15 =	sshra.s32 s4, $0x2;
	[sflag:s1] =	ssyncset.done $0x0;
	p1 =	sne.s32 s4, $0x61000  }
.Ltmp2:
0x81: {  	s15 =	sadd.s32 s15, s12;
	[sflag:s1] =	ssyncadd.s32 $0xFFFFFC00;
	(pc) =	sbr.rel @p1 .LBB2_2-.Ltmp2, $3  }
0x82: {  	[spmem:s15] =	stream.linear.scatter [tilespmem:s0], [sflag:$0x4], $0x400, $0x38;
	[tilespmem:$0x1FC00] =	vst v63  }
0x83: {  	s4 =	sadd.s32 $0x1000, s4;
	_ =	sdelay $0x1  }
0x84: {  	_ =	swait.ge [sflag:s1], $0x400  }
.Ltmp3:
0x85: {  	(pc) =	sbr.rel @p0 .LBB2_14-.Ltmp3, $4  }
0x86: {  	[sflag:s1] =	ssyncset.done $0x0  }
0x87: {  	[sflag:s1] =	ssyncadd.s32 $0xFFFFFC00  }
0x88: {  	[bflag:$0x0] =	sbarrier.arrive $0xFFFF  }
0x89: {  	s31 =	simm.s32 $0x0  }
0x8a: {  	s4 =	rddreg [dreg:$0xc];
	s7 =	simm.s32 $0x18800  }
0x8b: {  	[tilespmem:s7], [sflag:$0x4] =	stream.linear.gather [hbm4b:s4+s31], $0x200, $0x38;
	[tilespmem:$0x1FC00] =	vst v63  }
0x8c: {  	_ =	swait.ge [sflag:s1], $0x200  }
0x8d: {  	[sflag:s1] =	ssyncset.done $0x0  }
0x8e: {  	s11 =	simm.s32 $0x19000;
	s15 =	rddreg [dreg:$0xd];
	[sflag:s1] =	ssyncadd.s32 $0xFFFFFE00  }
0x8f: {  	[tilespmem:s11], [sflag:$0x4] =	stream.linear.gather [hbm4b:s15+s31], $0x80, $0x38;
	[tilespmem:$0x1FC00] =	vst v63  }
0x90: {  	_ =	swait.ge [sflag:s1], $0x80  }
0x91: {  	[sflag:s1] =	ssyncset.done $0x0  }
0x92: {  	s19 =	simm.s32 $0x19080;
	s16 =	rddreg [dreg:$0xe];
	[sflag:s1] =	ssyncadd.s32 $0xFFFFFF80  }
0x93: {  	[tilespmem:s19], [sflag:$0x4] =	stream.linear.gather [hbm4b:s16+s31], $0x80, $0x38;
	[tilespmem:$0x1FC00] =	vst v63  }
0x94: {  	_ =	swait.ge [sflag:s1], $0x80  }
0x95: {  	[sflag:s1] =	ssyncset.done $0x0  }
0x96: {  	s26 =	simm.s32 $0x19100;
	s25 =	rddreg [dreg:$0xf];
	[sflag:s1] =	ssyncadd.s32 $0xFFFFFF80  }
0x97: {  	[tilespmem:s26], [sflag:$0x4] =	stream.linear.gather [hbm4b:s25+s31], $0x80, $0x38;
	[tilespmem:$0x1FC00] =	vst v63  }
0x98: {  	_ =	swait.ge [sflag:s1], $0x80  }
0x99: {  	[sflag:s1] =	ssyncset.done $0x0  }
0x9a: {  	s15 =	simm.s32 $0x19180;
	s13 =	rddreg [dreg:$0x10];
	[sflag:s1] =	ssyncadd.s32 $0xFFFFFF80  }
0x9b: {  	[tilespmem:s15], [sflag:$0x4] =	stream.linear.gather [hbm4b:s13+s31], $0x80, $0x38;
	[tilespmem:$0x1FC00] =	vst v63  }
0x9c: {  	_ =	swait.ge [sflag:s1], $0x80  }
0x9d: {  	[sflag:s1] =	ssyncset.done $0x0  }
0x9e: {  	s19 =	simm.s32 $0x18A00;
	s16 =	rddreg [dreg:$0x13];
	[sflag:s1] =	ssyncadd.s32 $0xFFFFFF80  }
0x9f: {  	[tilespmem:s19], [sflag:$0x3] =	stream.linear.gather [hbm4b:s16+s31], $0x200, $0x38;
	[tilespmem:$0x1FC00] =	vst v63  }
0xa0: {  	s26 =	simm.s32 $0x19200;
	s25 =	rddreg [dreg:$0x14]  }
0xa1: {  	[tilespmem:s26], [sflag:$0x3] =	stream.linear.gather [hbm4b:s25+s31], $0x80, $0x38;
	[tilespmem:$0x1FC00] =	vst v63  }
0xa2: {  	s15 =	simm.s32 $0x19280;
	s13 =	rddreg [dreg:$0x1a]  }
0xa3: {  	[tilespmem:s15], [sflag:$0x3] =	stream.linear.gather [hbm4b:s13+s31], $0x80, $0x38;
	[tilespmem:$0x1FC00] =	vst v63  }
0xa4: {  	s16 =	rddreg [dreg:$0x1b];
	s19 =	simm.s32 $0x19300  }
0xa5: {  	[tilespmem:s19], [sflag:$0x3] =	stream.linear.gather [hbm4b:s16+s31], $0x80, $0x38;
	[tilespmem:$0x1FC00] =	vst v63  }
0xa6: {  	s25 =	rddreg [dreg:$0x1c];
	s26 =	simm.s32 $0x19380  }
0xa7: {  	[tilespmem:s26], [sflag:$0x3] =	stream.linear.gather [hbm4b:s25+s31], $0x80, $0x38;
	[tilespmem:$0x1FC00] =	vst v63  }
0xa8: {  	s11 =	simm.s32 $0x19800  }
0xa9: {  	[tilespmem:s11], [sflag:$0x1] =	stream.indirect.gather [hbm4b:s5+s28], $0x20, s7, s28, $0xb8;
	[tilespmem:$0x1FC00] =	vst v63  }
0xaa: {  	s13 =	simm.s32 $0x18880;
	s15 =	simm.s32 $0x1A800  }
0xab: {  	[tilespmem:s15], [sflag:$0x1] =	stream.indirect.gather [hbm4b:s5+s28], $0x20, s13, s28, $0xb8;
	[tilespmem:$0x1FC00] =	vst v63  }
.Ltmp4:
0xac: {  	s16 =	simm.s32 $0x18900;
	s19 =	simm.s32 $0x1B800;
	(pc) =	sbr.rel .LBB2_5-.Ltmp4, $4  }
0xad: {  	[tilespmem:s19], [sflag:$0x1] =	stream.indirect.gather [hbm4b:s5+s28], $0x20, s16, s28, $0xb8;
	[tilespmem:$0x1FC00] =	vst v63  }
0xae: {  	s25 =	simm.s32 $0x18980;
	s26 =	simm.s32 $0x1C800  }
0xaf: {  	[tilespmem:s26], [sflag:$0x1] =	stream.indirect.gather [hbm4b:s5+s28], $0x20, s25, s28, $0xb8;
	[tilespmem:$0x1FC00] =	vst v63  }
0xb0: {  	s25 =	simm.s32 $0xFFFFFFFE  }
.LBB2_9:
0xb1: {  	_ =	swait.ge [sflag:s30], $0x1000  }
0xb2: {  	[sflag:s30] =	ssyncset.done $0x0  }
0xb3: {  	[sflag:s30] =	ssyncadd.s32 $0xFFFFF000  }
.LBB2_11:
0xb4: {  	s7 =	sadd.s32 $0x6, s25  }
0xb5: {  	s11 =	smul.u32 $0xAAAB, s7;
	_ =	sdelay $0x1  }
0xb6: {  	s11 =	sshrl.u32 s11, $0x12  }
0xb7: {  	s11 =	smul.u32 $0x6, s11;
	_ =	sdelay $0x1  }
0xb8: {  	s19 =	sadd.s32 $0x200, s31;
	s7 =	ssub.s32 s7, s11  }
0xb9: {  	s13 =	sand.u32 $0x180, s31;
	s11 =	sand.u32 $0x600, s19;
	s7 =	sand.u32 $0xFFFF, s7  }
0xba: {  	s11 =	sor.u32 s13, s11;
	s7 =	sshll.u32 s7, $0xC  }
0xbb: {  	s11 =	sor.u32 $0x18800, s11;
	s7 =	sadd.s32 $0x19800, s7  }
0xbc: {  	[tilespmem:s7], [sflag:$0x1] =	stream.indirect.gather [hbm4b:s5+s28], $0x20, s11, s28, $0xb8;
	[tilespmem:$0x1FC00] =	vst v63  }
.LBB2_12:
0xbd: {  	s7 =	smul.u32 $0xAAAB, s15;
	_ =	sdelay $0x1  }
0xbe: {  	s7 =	sshrl.u32 s7, $0x12  }
0xbf: {  	s25 =	sadd.s32 $0x1, s25;
	s7 =	smul.u32 $0x6, s7  }
0xc0: {  	p1 =	seq.s32 s25, $0x186  }
.Ltmp5:
0xc1: {  	s11 =	sshll.u32 s26, $0x9;
	s7 =	ssub.s32 s15, s7;
	(pc) =	sbr.rel @p1 .LBB2_13-.Ltmp5, $4  }
0xc2: {  	s4 =	sshll.u32 s4, $0x7;
	s11 =	sand.u32 $0x600, s11;
	s7 =	sand.u32 $0xFFFF, s7  }
0xc3: {  	s4 =	sor.u32 s4, s11;
	s7 =	sshll.u32 s7, $0xC  }
0xc4: {  	s31 =	sadd.s32 $0x80, s31;
	s4 =	sor.u32 $0x19000, s4;
	s7 =	sadd.s32 $0x19800, s7  }
0xc5: {  	[spmem:s2] =	stream.indirect.scatter.add.f32 [tilespmem:s7], [sflag:$0x2], $0x20, s4, s28, $0xb8;
	[tilespmem:$0x1FC00] =	vst v63  }
.LBB2_5:
0xc6: {  	s15 =	sadd.s32 $0x2, s25  }
0xc7: {  	s4 =	sand.u32 $0x3, s15;
	p1 =	sgt.u32 s15, $0x183  }
0xc8: {  	p2 =	sne.s32 @!p1 s4, $0x0  }
0xc9: {  	p2 =	por p1, p2  }
.Ltmp6:
0xca: {  	_ = 	snop;
	(pc) =	sbr.rel @p2 .LBB2_7-.Ltmp6, $2  }
0xcb: {  	_ =	sdelay $0x2  }
0xcc: {  	s26 =	sshrl.u32 s15, $0x2  }
0xcd: {  	_ =	swait.ge [sflag:s29], $0x200  }
0xce: {  	[sflag:s29] =	ssyncset.done $0x0  }
0xcf: {  	[sflag:s29] =	ssyncadd.s32 $0xFFFFFE00  }
0xd0: {  	_ =	swait.ge [sflag:s29], $0x80  }
0xd1: {  	[sflag:s29] =	ssyncset.done $0x0  }
0xd2: {  	[sflag:s29] =	ssyncadd.s32 $0xFFFFFF80  }
0xd3: {  	_ =	swait.ge [sflag:s29], $0x80  }
0xd4: {  	[sflag:s29] =	ssyncset.done $0x0  }
0xd5: {  	[sflag:s29] =	ssyncadd.s32 $0xFFFFFF80  }
0xd6: {  	_ =	swait.ge [sflag:s29], $0x80  }
.Ltmp7:
0xd7: {  	[sflag:s29] =	ssyncset.done $0x0;
	(pc) =	sbr.rel .LBB2_8-.Ltmp7, $4  }
0xd8: {  	[sflag:s29] =	ssyncadd.s32 $0xFFFFFF80  }
0xd9: {  	_ =	swait.ge [sflag:s29], $0x80  }
0xda: {  	[sflag:s29] =	ssyncset.done $0x0  }
0xdb: {  	[sflag:s29] =	ssyncadd.s32 $0xFFFFFF80  }
.LBB2_7:
0xdc: {  	p2 =	sgt.u32 s15, $0x17F  }
0xdd: {  	p3 =	sne.s32 @!p2 s4, $0x2  }
0xde: {  	p2 =	por p3, p2  }
0xdf: {  	s19 =	sadd.s32 @!p2 $0x2, s26  }
0xe0: {  	s11 =	sadd.s32 @!p2 s23, s19;
	s19 =	sshll.u32 @!p2 s19, $0x9  }
0xe1: {  	s11 =	sshll.u32 @!p2 s11, $0x6;
	s19 =	sand.u32 @!p2 $0x600, s19  }
0xe2: {  	s7 =	simm.s32 @!p2 $0x0;
	s16 =	sor.u32 @!p2 $0x18800, s19;
	s13 =	sadd.s32 @!p2 s8, s11  }
0xe3: {  	[tilespmem:s16], [sflag:$0x3] =	stream.linear.gather @!p2 [hbm4b:s13+s7], $0x200, $0x38;
	[tilespmem:$0x1FC00] =	vst v63  }
0xe4: {  	s13 =	sor.u32 @!p2 $0x19000, s19;
	s16 =	sadd.s32 @!p2 s9, s11  }
0xe5: {  	[tilespmem:s13], [sflag:$0x3] =	stream.linear.gather @!p2 [hbm4b:s16+s7], $0x80, $0x38;
	[tilespmem:$0x1FC00] =	vst v63  }
0xe6: {  	s13 =	sor.u32 @!p2 $0x19080, s19;
	s16 =	sadd.s32 @!p2 s11, s20  }
0xe7: {  	[tilespmem:s13], [sflag:$0x3] =	stream.linear.gather @!p2 [hbm4b:s16+s7], $0x80, $0x38;
	[tilespmem:$0x1FC00] =	vst v63  }
0xe8: {  	s13 =	sor.u32 @!p2 $0x19100, s19;
	s16 =	sadd.s32 @!p2 s11, s21  }
0xe9: {  	[tilespmem:s13], [sflag:$0x3] =	stream.linear.gather @!p2 [hbm4b:s16+s7], $0x80, $0x38;
	[tilespmem:$0x1FC00] =	vst v63  }
0xea: {  	s11 =	sadd.s32 @!p2 s11, s22;
	s13 =	sor.u32 @!p2 $0x19180, s19  }
0xeb: {  	[tilespmem:s13], [sflag:$0x3] =	stream.linear.gather @!p2 [hbm4b:s11+s7], $0x80, $0x38;
	[tilespmem:$0x1FC00] =	vst v63  }
.LBB2_8:
0xec: {  	p2 =	sgt.u32 s25, $0x181  }
.Ltmp8:
0xed: {  	_ = 	snop;
	(pc) =	sbr.rel @!p2 .LBB2_9-.Ltmp8, $4  }
0xee: {  	_ = 	snop  }
0xef: {  	_ =	swait.ge [sflag:s24], $0x1000  }
0xf0: {  	[sflag:s24] =	ssyncset.done $0x0  }
0xf1: {  	[sflag:s24] =	ssyncadd.s32 $0xFFFFF000  }
.Ltmp9:
0xf2: {  	(pc) =	sbr.rel @p1 .LBB2_12-.Ltmp9, $4  }
.Ltmp10:
0xf3: {  	(pc) =	sbr.rel @!p1 .LBB2_11-.Ltmp10, $4  }
0xf4: {  	_ = 	snop  }
0xf5: {  	_ = 	snop  }
0xf6: {  	_ = 	snop  }
0xf7: {  	_ = 	snop  }
.LBB2_14:
0xf8: {  	s4 =	rddreg [dreg:$0x5];
	s7 =	simm.s32 $0x18800  }
0xf9: {  	[tilespmem:s7], [sflag:$0x4] =	stream.linear.gather [hbm4b:s4+s31], $0x200, $0x38;
	[tilespmem:$0x1FC00] =	vst v63  }
0xfa: {  	_ =	swait.ge [sflag:s1], $0x200  }
0xfb: {  	[sflag:s1] =	ssyncset.done $0x0  }
0xfc: {  	s11 =	simm.s32 $0x19000;
	s15 =	rddreg [dreg:$0x6];
	[sflag:s1] =	ssyncadd.s32 $0xFFFFFE00  }
0xfd: {  	[tilespmem:s11], [sflag:$0x4] =	stream.linear.gather [hbm4b:s15+s31], $0x80, $0x38;
	[tilespmem:$0x1FC00] =	vst v63  }
0xfe: {  	_ =	swait.ge [sflag:s1], $0x80  }
0xff: {  	[sflag:s1] =	ssyncset.done $0x0  }
0x100: {  	s19 =	simm.s32 $0x19080;
	s16 =	rddreg [dreg:$0x7];
	[sflag:s1] =	ssyncadd.s32 $0xFFFFFF80  }
0x101: {  	[tilespmem:s19], [sflag:$0x4] =	stream.linear.gather [hbm4b:s16+s31], $0x80, $0x38;
	[tilespmem:$0x1FC00] =	vst v63  }
0x102: {  	_ =	swait.ge [sflag:s1], $0x80  }
0x103: {  	[sflag:s1] =	ssyncset.done $0x0  }
0x104: {  	s26 =	simm.s32 $0x19100;
	s25 =	rddreg [dreg:$0xa];
	[sflag:s1] =	ssyncadd.s32 $0xFFFFFF80  }
0x105: {  	[tilespmem:s26], [sflag:$0x4] =	stream.linear.gather [hbm4b:s25+s31], $0x80, $0x38;
	[tilespmem:$0x1FC00] =	vst v63  }
0x106: {  	_ =	swait.ge [sflag:s1], $0x80  }
0x107: {  	[sflag:s1] =	ssyncset.done $0x0  }
0x108: {  	s15 =	simm.s32 $0x19180;
	s13 =	rddreg [dreg:$0xb];
	[sflag:s1] =	ssyncadd.s32 $0xFFFFFF80  }
0x109: {  	[tilespmem:s15], [sflag:$0x4] =	stream.linear.gather [hbm4b:s13+s31], $0x80, $0x38;
	[tilespmem:$0x1FC00] =	vst v63  }
0x10a: {  	_ =	swait.ge [sflag:s1], $0x80  }
0x10b: {  	[sflag:s1] =	ssyncset.done $0x0  }
0x10c: {  	s19 =	simm.s32 $0x18A00;
	s16 =	rddreg [dreg:$0x11];
	[sflag:s1] =	ssyncadd.s32 $0xFFFFFF80  }
0x10d: {  	[tilespmem:s19], [sflag:$0x3] =	stream.linear.gather [hbm4b:s16+s31], $0x200, $0x38;
	[tilespmem:$0x1FC00] =	vst v63  }
0x10e: {  	s26 =	simm.s32 $0x19200;
	s25 =	rddreg [dreg:$0x12]  }
0x10f: {  	[tilespmem:s26], [sflag:$0x3] =	stream.linear.gather [hbm4b:s25+s31], $0x80, $0x38;
	[tilespmem:$0x1FC00] =	vst v63  }
0x110: {  	s15 =	simm.s32 $0x19280;
	s13 =	rddreg [dreg:$0x17]  }
0x111: {  	[tilespmem:s15], [sflag:$0x3] =	stream.linear.gather [hbm4b:s13+s31], $0x80, $0x38;
	[tilespmem:$0x1FC00] =	vst v63  }
0x112: {  	s16 =	rddreg [dreg:$0x18];
	s19 =	simm.s32 $0x19300  }
0x113: {  	[tilespmem:s19], [sflag:$0x3] =	stream.linear.gather [hbm4b:s16+s31], $0x80, $0x38;
	[tilespmem:$0x1FC00] =	vst v63  }
0x114: {  	s25 =	rddreg [dreg:$0x19];
	s26 =	simm.s32 $0x19380  }
0x115: {  	[tilespmem:s26], [sflag:$0x3] =	stream.linear.gather [hbm4b:s25+s31], $0x80, $0x38;
	[tilespmem:$0x1FC00] =	vst v63  }
0x116: {  	s11 =	simm.s32 $0x19800  }
0x117: {  	[tilespmem:s11], [sflag:$0x1] =	stream.indirect.gather [hbm4b:s6+s28], $0x20, s7, s28, $0xb8;
	[tilespmem:$0x1FC00] =	vst v63  }
0x118: {  	s13 =	simm.s32 $0x18880;
	s15 =	simm.s32 $0x1A800  }
0x119: {  	[tilespmem:s15], [sflag:$0x1] =	stream.indirect.gather [hbm4b:s6+s28], $0x20, s13, s28, $0xb8;
	[tilespmem:$0x1FC00] =	vst v63  }
.Ltmp11:
0x11a: {  	s16 =	simm.s32 $0x18900;
	s19 =	simm.s32 $0x1B800;
	(pc) =	sbr.rel .LBB2_15-.Ltmp11, $4  }
0x11b: {  	[tilespmem:s19], [sflag:$0x1] =	stream.indirect.gather [hbm4b:s6+s28], $0x20, s16, s28, $0xb8;
	[tilespmem:$0x1FC00] =	vst v63  }
0x11c: {  	s25 =	simm.s32 $0x18980;
	s26 =	simm.s32 $0x1C800  }
0x11d: {  	[tilespmem:s26], [sflag:$0x1] =	stream.indirect.gather [hbm4b:s6+s28], $0x20, s25, s28, $0xb8;
	[tilespmem:$0x1FC00] =	vst v63  }
0x11e: {  	s25 =	simm.s32 $0xFFFFFFFE  }
.LBB2_19:
0x11f: {  	_ =	swait.ge [sflag:s30], $0x1000  }
0x120: {  	[sflag:s30] =	ssyncset.done $0x0  }
0x121: {  	[sflag:s30] =	ssyncadd.s32 $0xFFFFF000  }
.LBB2_21:
0x122: {  	s7 =	sadd.s32 $0x6, s25  }
0x123: {  	s11 =	smul.u32 $0xAAAB, s7;
	_ =	sdelay $0x1  }
0x124: {  	s11 =	sshrl.u32 s11, $0x12  }
0x125: {  	s11 =	smul.u32 $0x6, s11;
	_ =	sdelay $0x1  }
0x126: {  	s19 =	sadd.s32 $0x200, s31;
	s7 =	ssub.s32 s7, s11  }
0x127: {  	s13 =	sand.u32 $0x180, s31;
	s11 =	sand.u32 $0x600, s19;
	s7 =	sand.u32 $0xFFFF, s7  }
0x128: {  	s11 =	sor.u32 s13, s11;
	s7 =	sshll.u32 s7, $0xC  }
0x129: {  	s11 =	sor.u32 $0x18800, s11;
	s7 =	sadd.s32 $0x19800, s7  }
0x12a: {  	[tilespmem:s7], [sflag:$0x1] =	stream.indirect.gather [hbm4b:s6+s28], $0x20, s11, s28, $0xb8;
	[tilespmem:$0x1FC00] =	vst v63  }
.LBB2_22:
0x12b: {  	s7 =	smul.u32 $0xAAAB, s15;
	_ =	sdelay $0x1  }
0x12c: {  	s7 =	sshrl.u32 s7, $0x12  }
0x12d: {  	s25 =	sadd.s32 $0x1, s25;
	s7 =	smul.u32 $0x6, s7  }
0x12e: {  	p1 =	sne.s32 s25, $0x186  }
.Ltmp12:
0x12f: {  	s11 =	sshll.u32 s26, $0x9;
	s7 =	ssub.s32 s15, s7;
	(pc) =	sbr.rel @!p1 .LBB2_23-.Ltmp12, $4  }
0x130: {  	s4 =	sshll.u32 s4, $0x7;
	s11 =	sand.u32 $0x600, s11;
	s7 =	sand.u32 $0xFFFF, s7  }
0x131: {  	s4 =	sor.u32 s4, s11;
	s7 =	sshll.u32 s7, $0xC  }
0x132: {  	s31 =	sadd.s32 $0x80, s31;
	s4 =	sor.u32 $0x19000, s4;
	s7 =	sadd.s32 $0x19800, s7  }
0x133: {  	[spmem:s2] =	stream.indirect.scatter.add.f32 [tilespmem:s7], [sflag:$0x2], $0x20, s4, s28, $0xb8;
	[tilespmem:$0x1FC00] =	vst v63  }
.LBB2_15:
0x134: {  	s15 =	sadd.s32 $0x2, s25  }
0x135: {  	s4 =	sand.u32 $0x3, s15;
	p1 =	sgt.u32 s15, $0x183  }
0x136: {  	p2 =	sne.s32 @!p1 s4, $0x0  }
0x137: {  	p2 =	por p1, p2  }
.Ltmp13:
0x138: {  	_ = 	snop;
	(pc) =	sbr.rel @p2 .LBB2_17-.Ltmp13, $2  }
0x139: {  	_ =	sdelay $0x2  }
0x13a: {  	s26 =	sshrl.u32 s15, $0x2  }
0x13b: {  	_ =	swait.ge [sflag:s29], $0x200  }
0x13c: {  	[sflag:s29] =	ssyncset.done $0x0  }
0x13d: {  	[sflag:s29] =	ssyncadd.s32 $0xFFFFFE00  }
0x13e: {  	_ =	swait.ge [sflag:s29], $0x80  }
0x13f: {  	[sflag:s29] =	ssyncset.done $0x0  }
0x140: {  	[sflag:s29] =	ssyncadd.s32 $0xFFFFFF80  }
0x141: {  	_ =	swait.ge [sflag:s29], $0x80  }
0x142: {  	[sflag:s29] =	ssyncset.done $0x0  }
0x143: {  	[sflag:s29] =	ssyncadd.s32 $0xFFFFFF80  }
0x144: {  	_ =	swait.ge [sflag:s29], $0x80  }
.Ltmp14:
0x145: {  	[sflag:s29] =	ssyncset.done $0x0;
	(pc) =	sbr.rel .LBB2_18-.Ltmp14, $4  }
0x146: {  	[sflag:s29] =	ssyncadd.s32 $0xFFFFFF80  }
0x147: {  	_ =	swait.ge [sflag:s29], $0x80  }
0x148: {  	[sflag:s29] =	ssyncset.done $0x0  }
0x149: {  	[sflag:s29] =	ssyncadd.s32 $0xFFFFFF80  }
.LBB2_17:
0x14a: {  	p2 =	sgt.u32 s15, $0x17F  }
0x14b: {  	p3 =	sne.s32 @!p2 s4, $0x2  }
0x14c: {  	p2 =	por p3, p2  }
0x14d: {  	s7 =	sadd.s32 @!p2 $0x2, s26  }
0x14e: {  	s11 =	sadd.s32 @!p2 s23, s7;
	s7 =	sshll.u32 @!p2 s7, $0x9  }
0x14f: {  	s11 =	sshll.u32 @!p2 s11, $0x6;
	s7 =	sand.u32 @!p2 $0x600, s7  }
0x150: {  	s19 =	simm.s32 @!p2 $0x0;
	s13 =	sor.u32 @!p2 $0x18800, s7;
	s16 =	sadd.s32 @!p2 s10, s11  }
0x151: {  	[tilespmem:s13], [sflag:$0x3] =	stream.linear.gather @!p2 [hbm4b:s16+s19], $0x200, $0x38;
	[tilespmem:$0x1FC00] =	vst v63  }
0x152: {  	s13 =	sor.u32 @!p2 $0x19000, s7;
	s16 =	sadd.s32 @!p2 s14, s11  }
0x153: {  	[tilespmem:s13], [sflag:$0x3] =	stream.linear.gather @!p2 [hbm4b:s16+s19], $0x80, $0x38;
	[tilespmem:$0x1FC00] =	vst v63  }
0x154: {  	s16 =	rddreg [dreg:$0x8]  }
0x155: {  	s13 =	sor.u32 @!p2 $0x19080, s7;
	s16 =	sadd.s32 @!p2 s11, s16  }
0x156: {  	[tilespmem:s13], [sflag:$0x3] =	stream.linear.gather @!p2 [hbm4b:s16+s19], $0x80, $0x38;
	[tilespmem:$0x1FC00] =	vst v63  }
0x157: {  	s13 =	sor.u32 @!p2 $0x19100, s7;
	s16 =	sadd.s32 @!p2 s11, s17  }
0x158: {  	[tilespmem:s13], [sflag:$0x3] =	stream.linear.gather @!p2 [hbm4b:s16+s19], $0x80, $0x38;
	[tilespmem:$0x1FC00] =	vst v63  }
0x159: {  	s7 =	sor.u32 @!p2 $0x19180, s7;
	s11 =	sadd.s32 @!p2 s11, s18  }
0x15a: {  	[tilespmem:s7], [sflag:$0x3] =	stream.linear.gather @!p2 [hbm4b:s11+s19], $0x80, $0x38;
	[tilespmem:$0x1FC00] =	vst v63  }
.LBB2_18:
0x15b: {  	p2 =	sgt.u32 s25, $0x181  }
.Ltmp15:
0x15c: {  	_ = 	snop;
	(pc) =	sbr.rel @!p2 .LBB2_19-.Ltmp15, $4  }
0x15d: {  	_ = 	snop  }
0x15e: {  	_ =	swait.ge [sflag:s24], $0x1000  }
0x15f: {  	[sflag:s24] =	ssyncset.done $0x0  }
0x160: {  	[sflag:s24] =	ssyncadd.s32 $0xFFFFF000  }
.Ltmp16:
0x161: {  	(pc) =	sbr.rel @p1 .LBB2_22-.Ltmp16, $4  }
.Ltmp17:
0x162: {  	(pc) =	sbr.rel @!p1 .LBB2_21-.Ltmp17, $4  }
0x163: {  	_ = 	snop  }
0x164: {  	_ = 	snop  }
0x165: {  	_ = 	snop  }
0x166: {  	_ = 	snop  }
.LBB2_13:
.Ltmp18:
0x167: {  	(pc) =	sbr.rel .LBB2_24-.Ltmp18, $2  }
0x168: {  	_ =	sdelay $0x2  }
0x169: {  	s4 =	rddreg [dreg:$0x1]  }
.LBB2_25:
0x16a: {  	_ =	sfence.sel $0x180000  }
0x16b: {  	[bflag:$0x0] =	sbarrier.arrive $0xFFFF  }
0x16c: {  	_ =	strace $0x90000047  }
0x16d: {  	s0 =	stileid.u32;
	[bflag:$0x2] =	sbarrier.arrive $0xFFFF  }
0x16e: {  	p0 =	sne.s32 s0, $0x0;
	s0 =	rddreg [dreg:$0x3]  }
0x16f: {  	s0 =	sadd.s32 @!p0 $0x100000, s0  }
0x170: {  	[sflag:s0] =	ssyncadd.tile.s32 @!p0 $0x1;
	_ =	shalt  }
.Lfunc_end2:
_tile_overlayer_lowered:
.L_overlay_start_2:
0x171: {  	(tag) =	ssettag $0x2  }
0x172: {  	s0 =	rddreg [dreg:$0x0];
	s2 =	stileid.u32  }
0x173: {  	s1 =	rddreg [dreg:$0x1];
	p0 =	sne.s32 s2, $0x0  }
0x174: {  	s3 =	rddreg [dreg:$0x2];
	[bflag:$0x3] =	sbarrier.arrive $0xFFFF;
	s2 =	simm.s32 @!p0 $0x1C04  }
0x175: {  	[timem:s3], [sflag:s2] =	dma.local @!p0 [hbm:s0], s1  }
0x176: {  	s0 =	simm.s32 @!p0 $0x4  }
0x177: {  	_ =	swait.ge @!p0 [sflag:s0], s1  }
0x178: {  	s1 =	ssub.s32 @!p0 $0x0, s1;
	[sflag:s0] =	ssyncset.done @!p0 $0x0  }
0x179: {  	[sflag:s0] =	ssyncadd.s32 @!p0 s1  }
0x17a: {  	[bflag:$0x3] =	sbarrier.arrive $0xFFFF  }
0x17b: {  	_ =	shalt  }

</sc_bundles>
